<compile_context>
chip_gen: v7x
topology: tpu7x:2x2x1
jax: 0.10.2.dev20260603
libtpu: 0.0.44.dev20260713+nightly
codegen_flags: <defaults>
</compile_context>

<pallas_src>
import functools

import jax
import jax.numpy as jnp
from jax import lax
from jax.experimental import pallas as pl
from jax.experimental.pallas import tpu as pltpu
from jax.experimental.pallas import tpu_sc as plsc

T = 2048
D = 1024
H = D // 2
F = 512
E = 8
TOPK = 2
B = 256
NB = (TOPK * T + E * (B - 1) + B - 1) // B
S = NB * B
NW = 32
CH = (TOPK * T) // NW
SUB = 128

_MASK_HI = -65536


def _pack(a, b):
    abits = lax.bitcast_convert_type(
        a.astype(jnp.bfloat16).astype(jnp.float32), jnp.int32)
    bbits = lax.bitcast_convert_type(
        b.astype(jnp.bfloat16).astype(jnp.float32), jnp.int32)
    word = jnp.bitwise_or(abits, lax.shift_right_logical(bbits, 16))
    return lax.bitcast_convert_type(word, jnp.float32)


def _unpack(p):
    bits = lax.bitcast_convert_type(p, jnp.int32)
    a = lax.bitcast_convert_type(jnp.bitwise_and(bits, _MASK_HI), jnp.float32)
    b = lax.bitcast_convert_type(lax.shift_left(bits, 16), jnp.float32)
    return a, b


def _unpack_bf16(p):
    a, b = _unpack(p)
    return jnp.concatenate([a, b], axis=1).astype(jnp.bfloat16)



def _router_body(x_ref, rw_ref, b_ref, w01_ref, p_ref, be_ref, xp_ref,
                 nxt_ref):
    x = x_ref[...]
    xp_ref[...] = _pack(x[:, :H], x[:, H:])
    logits = lax.dot_general(rw_ref[...], x, (((1,), (1,)), ((), ())),
                             preferred_element_type=jnp.float32)
    scores = jax.nn.sigmoid(logits)
    sc = scores + b_ref[...]
    iota = lax.broadcasted_iota(jnp.int32, (E, T), 0)
    m1 = jnp.max(sc, axis=0, keepdims=True)
    i1 = jnp.min(jnp.where(sc == m1, iota, E), axis=0, keepdims=True)
    oh1 = iota == i1
    sc2 = jnp.where(oh1, -jnp.inf, sc)
    m2 = jnp.max(sc2, axis=0, keepdims=True)
    i2 = jnp.min(jnp.where(sc2 == m2, iota, E), axis=0, keepdims=True)
    oh2 = iota == i2
    w1 = jnp.sum(jnp.where(oh1, scores, 0.0), axis=0, keepdims=True)
    w2 = jnp.sum(jnp.where(oh2, scores, 0.0), axis=0, keepdims=True)
    den = w1 + w2 + 1e-20
    w01_t = jnp.concatenate([w1 / den, w2 / den], axis=0)
    w01_ref[...] = jnp.swapaxes(w01_t, 0, 1)

    ohf = jnp.concatenate([oh1, oh2], axis=1).astype(jnp.bfloat16)
    C = 512
    ii = lax.broadcasted_iota(jnp.int32, (C, C), 0)
    jj = lax.broadcasted_iota(jnp.int32, (C, C), 1)
    triU = (ii < jj).astype(jnp.bfloat16)
    carry = jnp.zeros((E, 1), jnp.float32)
    ranks = []
    for c in range(TOPK * T // C):
        blk = ohf[:, c * C:(c + 1) * C]
        r = lax.dot_general(blk, triU, (((1,), (0,)), ((), ())),
                            preferred_element_type=jnp.float32) + carry
        ranks.append(r)
        carry = r[:, C - 1:C] + blk[:, C - 1:C].astype(jnp.float32)
    ranks = jnp.concatenate(ranks, axis=1)
    counts = carry
    nbB = jnp.floor((counts + (B - 1)) / B) * B
    ie = lax.broadcasted_iota(jnp.int32, (E, E), 0)
    je = lax.broadcasted_iota(jnp.int32, (E, E), 1)
    tri8 = (je < ie).astype(jnp.float32)
    offp = lax.dot_general(tri8, nbB, (((1,), (0,)), ((), ())),
                           preferred_element_type=jnp.float32)
    ent = jnp.sum((ranks + offp) * ohf.astype(jnp.float32), axis=0,
                  keepdims=True)
    p_ref[...] = ent.astype(jnp.int32)

    bb = (lax.broadcasted_iota(jnp.int32, (E, NB), 1) * B).astype(jnp.float32)
    active = (bb >= offp) & (bb < offp + nbB)
    eplus = lax.broadcasted_iota(jnp.int32, (E, NB), 0) + 1
    be_ref[...] = jnp.sum(jnp.where(active, eplus, 0), axis=0,
                          keepdims=True) - 1

    eio = lax.broadcasted_iota(jnp.int32, (E, NB), 0)
    cand = jnp.where((offp > bb) & (nbB > 0), eio, E)
    nxt = jnp.min(cand, axis=0, keepdims=True)
    nxt_ref[...] = jnp.where(nxt == E, -1, nxt)


def _router(x, rw, bias, *, interpret=False):
    return pl.pallas_call(
        _router_body,
        out_shape=[jax.ShapeDtypeStruct((T, 2), jnp.float32),
                   jax.ShapeDtypeStruct((1, TOPK * T), jnp.int32),
                   jax.ShapeDtypeStruct((1, NB), jnp.int32),
                   jax.ShapeDtypeStruct((T, H), jnp.float32),
                   jax.ShapeDtypeStruct((1, NB), jnp.int32)],
        interpret=interpret,
    )(x, rw, bias.reshape(E, 1))



def _sc_mesh():
    return plsc.VectorSubcoreMesh(core_axis_name="c", subcore_axis_name="s")


def _dispatch(xp, p, *, interpret=False):
    @functools.partial(
        pl.kernel,
        out_type=jax.ShapeDtypeStruct((S, H), jnp.float32),
        mesh=_sc_mesh(),
        scratch_types=[pltpu.VMEM((SUB,), jnp.int32),
                       pltpu.VMEM((SUB, H), jnp.float32),
                       pltpu.SemaphoreType.DMA],
        interpret=interpret,
    )
    def k(x_hbm, p_hbm, xg_hbm, idx_v, rows_v, sem):
        wid = lax.axis_index("s") * 2 + lax.axis_index("c")
        base = wid * CH
        for c in range(CH // SUB):
            b = base + c * SUB
            pltpu.sync_copy(p_hbm.at[pl.ds(b, SUB)], idx_v)
            t0 = lax.rem(b, T)
            pltpu.sync_copy(x_hbm.at[pl.ds(t0, SUB)], rows_v)
            pltpu.async_copy(rows_v, xg_hbm.at[idx_v], sem).wait()

    return k(xp, p)



def _shared_body(xp_ref, wg_ref, wu_ref, wd_ref, o_ref,
                 wgc_ref, wuc_ref, wdc_ref):
    @pl.when(pl.program_id(0) == 0)
    def _():
        wgc_ref[...] = wg_ref[...].astype(jnp.bfloat16)
        wuc_ref[...] = wu_ref[...].astype(jnp.bfloat16)
        wdc_ref[...] = wd_ref[...].astype(jnp.bfloat16)

    xb = _unpack_bf16(xp_ref[...])
    g = lax.dot_general(xb, wgc_ref[...], (((1,), (1,)), ((), ())),
                        preferred_element_type=jnp.float32)
    u = lax.dot_general(xb, wuc_ref[...], (((1,), (1,)), ((), ())),
                        preferred_element_type=jnp.float32)
    h = (g * jax.nn.sigmoid(g) * u).astype(jnp.bfloat16)
    o = lax.dot_general(h, wdc_ref[...], (((1,), (1,)), ((), ())),
                        preferred_element_type=jnp.float32)
    o_ref[...] = _pack(o[:, :H], o[:, H:])


def _shared(xp, wg, wu, wd, *, interpret=False):
    BT = 512
    return pl.pallas_call(
        _shared_body,
        grid=(T // BT,),
        in_specs=[pl.BlockSpec((BT, H), lambda i: (i, 0)),
                  pl.BlockSpec((F, D), lambda i: (0, 0)),
                  pl.BlockSpec((F, D), lambda i: (0, 0)),
                  pl.BlockSpec((D, F), lambda i: (0, 0))],
        out_specs=pl.BlockSpec((BT, H), lambda i: (i, 0)),
        out_shape=jax.ShapeDtypeStruct((T, H), jnp.float32),
        scratch_shapes=[pltpu.VMEM((F, D), jnp.bfloat16),
                        pltpu.VMEM((F, D), jnp.bfloat16),
                        pltpu.VMEM((D, F), jnp.bfloat16)],
        interpret=interpret,
    )(xp, wg, wu, wd)



def _wcopies(wg_ref, wu_ref, wd_ref, wgb_ref, wub_ref, wdb_ref, sems, e, b):
    return [pltpu.make_async_copy(wg_ref.at[e], wgb_ref.at[b], sems.at[b]),
            pltpu.make_async_copy(wu_ref.at[e], wub_ref.at[b], sems.at[b]),
            pltpu.make_async_copy(wd_ref.at[e], wdb_ref.at[b], sems.at[b])]


def _group_body(be_ref, nxt_ref, xg_ref, wg_ref, wu_ref, wd_ref, yg_ref,
                wgb_ref, wub_ref, wdb_ref, wgc_ref, wuc_ref, wdc_ref,
                par_ref, sems):
    i = pl.program_id(0)
    e = be_ref[i]
    boundary = jnp.logical_or(i == 0, e != be_ref[jnp.maximum(i - 1, 0)])

    @pl.when(i == 0)
    def _():
        for c in _wcopies(wg_ref, wu_ref, wd_ref, wgb_ref, wub_ref, wdb_ref,
                          sems, e, 0):
            c.start()
        par_ref[0] = 1

    @pl.when(boundary & (e >= 0))
    def _():
        b = par_ref[0] ^ 1
        for c in _wcopies(wg_ref, wu_ref, wd_ref, wgb_ref, wub_ref, wdb_ref,
                          sems, e, b):
            c.wait()
        wgc_ref[...] = wgb_ref[b].astype(jnp.bfloat16)
        wuc_ref[...] = wub_ref[b].astype(jnp.bfloat16)
        wdc_ref[...] = wdb_ref[b].astype(jnp.bfloat16)
        par_ref[0] = b
        n = nxt_ref[i]

        @pl.when(n >= 0)
        def _():
            for c in _wcopies(wg_ref, wu_ref, wd_ref, wgb_ref, wub_ref,
                              wdb_ref, sems, n, b ^ 1):
                c.start()

    @pl.when(e >= 0)
    def _():
        xb = _unpack_bf16(xg_ref[...])
        g = lax.dot_general(xb, wgc_ref[...], (((1,), (1,)), ((), ())),
                            preferred_element_type=jnp.float32)
        u = lax.dot_general(xb, wuc_ref[...], (((1,), (1,)), ((), ())),
                            preferred_element_type=jnp.float32)
        h = (g * jax.nn.sigmoid(g) * u).astype(jnp.bfloat16)
        y = lax.dot_general(h, wdc_ref[...], (((1,), (1,)), ((), ())),
                            preferred_element_type=jnp.float32)
        yg_ref[...] = _pack(y[:, :H], y[:, H:])


def _grouped(be, nxt, xg, wg, wu, wd, *, interpret=False):
    grid_spec = pltpu.PrefetchScalarGridSpec(
        num_scalar_prefetch=2,
        grid=(NB,),
        in_specs=[pl.BlockSpec((B, H), lambda i, be, nxt: (i, 0)),
                  pl.BlockSpec(memory_space=pltpu.MemorySpace.HBM),
                  pl.BlockSpec(memory_space=pltpu.MemorySpace.HBM),
                  pl.BlockSpec(memory_space=pltpu.MemorySpace.HBM)],
        out_specs=pl.BlockSpec((B, H), lambda i, be, nxt: (i, 0)),
        scratch_shapes=[pltpu.VMEM((2, F, D), jnp.float32),
                        pltpu.VMEM((2, F, D), jnp.float32),
                        pltpu.VMEM((2, D, F), jnp.float32),
                        pltpu.VMEM((F, D), jnp.bfloat16),
                        pltpu.VMEM((F, D), jnp.bfloat16),
                        pltpu.VMEM((D, F), jnp.bfloat16),
                        pltpu.SMEM((1,), jnp.int32),
                        pltpu.SemaphoreType.DMA((2,))],
    )
    return pl.pallas_call(
        _group_body,
        grid_spec=grid_spec,
        out_shape=jax.ShapeDtypeStruct((S, H), jnp.float32),
        interpret=interpret,
    )(be, nxt, xg, wg, wu, wd)



def _gather_out(yg, p, *, interpret=False):
    @functools.partial(
        pl.kernel,
        out_type=jax.ShapeDtypeStruct((TOPK * T, H), jnp.float32),
        mesh=_sc_mesh(),
        scratch_types=[pltpu.VMEM((SUB,), jnp.int32),
                       pltpu.VMEM((SUB, H), jnp.float32),
                       pltpu.SemaphoreType.DMA],
        interpret=interpret,
    )
    def k(yg_hbm, p_hbm, yh_hbm, idx_v, rows_v, sem):
        wid = lax.axis_index("s") * 2 + lax.axis_index("c")
        base = wid * CH
        for c in range(CH // SUB):
            b = base + c * SUB
            pltpu.sync_copy(p_hbm.at[pl.ds(b, SUB)], idx_v)
            pltpu.async_copy(yg_hbm.at[idx_v], rows_v, sem).wait()
            pltpu.sync_copy(rows_v, yh_hbm.at[pl.ds(b, SUB)])

    return k(yg, p)



def _final_body(sh_ref, y0_ref, y1_ref, w_ref, o_ref):
    w = w_ref[...]
    w0 = w[:, 0:1]
    w1 = w[:, 1:2]
    y0a, y0b = _unpack(y0_ref[...])
    y1a, y1b = _unpack(y1_ref[...])
    sha, shb = _unpack(sh_ref[...])
    o_ref[:, :H] = sha + w0 * y0a + w1 * y1a
    o_ref[:, H:] = shb + w0 * y0b + w1 * y1b


def _final(shared, yh, w01, *, interpret=False):
    BT = 512
    nb = T // BT
    return pl.pallas_call(
        _final_body,
        grid=(nb,),
        in_specs=[pl.BlockSpec((BT, H), lambda i: (i, 0)),
                  pl.BlockSpec((BT, H), lambda i: (i, 0)),
                  pl.BlockSpec((BT, H), lambda i: (i + nb, 0)),
                  pl.BlockSpec((BT, 2), lambda i: (i, 0))],
        out_specs=pl.BlockSpec((BT, D), lambda i: (i, 0)),
        out_shape=jax.ShapeDtypeStruct((T, D), jnp.float32),
        interpret=interpret,
    )(shared, yh, yh, w01)


def kernel(hidden_states, router_weight, e_score_correction_bias, w_gate,
           w_up, w_down, ws_gate, ws_up, ws_down):
    x = hidden_states.reshape(T, D)
    w01, p2, be2, xp, nxt2 = _router(x, router_weight,
                                     e_score_correction_bias)
    p = p2.reshape(TOPK * T)
    be = be2.reshape(NB)
    nxt = nxt2.reshape(NB)
    xg = _dispatch(xp, p)
    shared = _shared(xp, ws_gate, ws_up, ws_down)
    xg, shared = jax.lax.optimization_barrier((xg, shared))
    yg = _grouped(be, nxt, xg, w_gate, w_up, w_down)
    yh = _gather_out(yg, p)
    return _final(shared, yh, w01)

# --- scband reference (transcript-rebuilt; emitter-appended) ---
"""Pipeline reference for scband-glm4-moe-mo-e-41781441856071 (READ-ONLY COPY).

The authoritative reference and input builder live on the scoring server;
editing this copy changes nothing except your own understanding.
"""

import jax, jax.numpy as jnp
import numpy as np

T = 2048
D = 1024
F = 512
E = 8
TOP_K = 2
ROUTED_SCALING = 1.0

def setup_inputs(seed: int = 0) -> dict:
    key = jax.random.key(seed)
    ks = jax.random.split(key, 9)
    hidden_states = jax.random.normal(ks[0], (T, D), dtype=jnp.float32)
    router_weight = jax.random.normal(ks[1], (E, D), dtype=jnp.float32) * 0.02
    e_score_correction_bias = jnp.zeros((E,), dtype=jnp.float32)
    w_gate = jax.random.normal(ks[2], (E, F, D), dtype=jnp.float32) * 0.02
    w_up = jax.random.normal(ks[3], (E, F, D), dtype=jnp.float32) * 0.02
    w_down = jax.random.normal(ks[4], (E, D, F), dtype=jnp.float32) * 0.02
    ws_gate = jax.random.normal(ks[5], (F, D), dtype=jnp.float32) * 0.02
    ws_up = jax.random.normal(ks[6], (F, D), dtype=jnp.float32) * 0.02
    ws_down = jax.random.normal(ks[7], (D, F), dtype=jnp.float32) * 0.02
    return {
        'hidden_states': hidden_states,
        'router_weight': router_weight,
        'e_score_correction_bias': e_score_correction_bias,
        'w_gate': w_gate,
        'w_up': w_up,
        'w_down': w_down,
        'ws_gate': ws_gate,
        'ws_up': ws_up,
        'ws_down': ws_down,
    }

def _mlp(x, wg, wu, wd):
    # SwiGLU MLP: down(silu(gate(x)) * up(x)); weights stored as [out, in]
    g = x @ wg.T
    u = x @ wu.T
    return (jax.nn.silu(g) * u) @ wd.T

def reference(hidden_states, router_weight, e_score_correction_bias, w_gate, w_up, w_down, ws_gate, ws_up, ws_down):
    x = hidden_states.reshape(-1, D)
    # --- GlmMoeSelectTopk ---
    router_logits = x @ router_weight.T                      # [T, E]
    scores = jax.nn.sigmoid(router_logits)
    scores_for_choice = scores + e_score_correction_bias[None, :]
    _, topk_indices = jax.lax.top_k(scores_for_choice, TOP_K)  # [T, k]
    topk_weights = jnp.take_along_axis(scores, topk_indices, axis=1)
    denom = topk_weights.sum(axis=-1, keepdims=True) + 1e-20
    topk_weights = topk_weights / denom
    topk_weights = topk_weights * ROUTED_SCALING
    # --- expert dispatch (math-equivalent dense combine) ---
    onehot = jax.nn.one_hot(topk_indices, E, dtype=x.dtype)   # [T, k, E]
    combine = (topk_weights[..., None] * onehot).sum(axis=1)  # [T, E]
    g = jnp.einsum('td,efd->etf', x, w_gate)
    u = jnp.einsum('td,efd->etf', x, w_up)
    h = jax.nn.silu(g) * u                                    # [E, T, F]
    expert_out = jnp.einsum('etf,edf->etd', h, w_down)        # [E, T, D]
    hidden_states_e = jnp.einsum('etd,te->td', expert_out, combine)
    # --- shared experts ---
    shared_out = _mlp(x, ws_gate, ws_up, ws_down)
    return hidden_states_e + shared_out

if __name__ == "__main__":
    import jax
    _d = setup_inputs()
    print(jax.jit(kernel)(*tuple(_d.values())))

</pallas_src>

<mosaic_0001>
#map = affine_map<(d0, d1) -> (0, 0)>
#map1 = affine_map<(d0, d1) -> (0)>
module attributes {stable_mosaic.version = 14 : i64} {
  func.func @k(%arg0: i32, %arg1: i32, %arg2: memref<2048x512xf32, #tpu.memory_space<hbm>>, %arg3: memref<4096xi32, #tpu.memory_space<hbm>>, %arg4: memref<6144x512xf32, #tpu.memory_space<hbm>>, %arg5: memref<128xi32, #tpu.memory_space<vmem>>, %arg6: memref<128x512xf32, #tpu.memory_space<vmem>>, %arg7: memref<!tpu.dma_semaphore, #tpu.memory_space<semaphore_mem>>) attributes {dimension_semantics = [#tpu.dimension_semantics<core_parallel>, #tpu.dimension_semantics<subcore_parallel>], iteration_bounds = array<i64: 2, 16>, scalar_prefetch = 0 : i64, scratch_operands = 3 : i64, tpu.core_type = #tpu.core_type<sc_vector_subcore>, window_params = [{transform_indices = #map}, {transform_indices = #map1}, {transform_indices = #map}]} {
    %mul3A = arith.constant 2 : i32
    %mul3A_0 = arith.muli %arg1, %mul3A : i32
    %add3A = arith.addi %mul3A_0, %arg0 : i32
    %mul3A_1 = arith.constant 128 : i32
    %mul3A_2 = arith.muli %add3A, %mul3A_1 : i32
    %add3A_3 = arith.constant 0 : i32
    %add3A_4 = arith.addi %mul3A_2, %add3A_3 : i32
    "tpu.region"() ({
      %run_scoped3A = tpu.sem_alloc : memref<!tpu.dma_semaphore, #tpu.memory_space<semaphore_mem>>
      %dma_start3A_10 = tpu.memref_slice %arg3[%add3A_4] : memref<4096xi32, #tpu.memory_space<hbm>> -> memref<128xi32, #tpu.memory_space<hbm>>
      %dma_start3A_11 = tpu.memref_slice %arg3[%add3A_4] : memref<4096xi32, #tpu.memory_space<hbm>> -> memref<128xi32, #tpu.memory_space<hbm>>
      tpu.enqueue_dma source(%dma_start3A_11 : memref<128xi32, #tpu.memory_space<hbm>>) target(%arg5 : memref<128xi32, #tpu.memory_space<vmem>>) target_semaphore(%run_scoped3A : memref<!tpu.dma_semaphore, #tpu.memory_space<semaphore_mem>>)
      %dma_wait3A_12 = tpu.memref_slice %arg3[%add3A_4] : memref<4096xi32, #tpu.memory_space<hbm>> -> memref<128xi32, #tpu.memory_space<hbm>>
      %dma_wait3A_13 = tpu.memref_slice %arg3[%add3A_4] : memref<4096xi32, #tpu.memory_space<hbm>> -> memref<128xi32, #tpu.memory_space<hbm>>
      tpu.wait_dma2 semaphore(%run_scoped3A : memref<!tpu.dma_semaphore, #tpu.memory_space<semaphore_mem>>) src(%dma_wait3A_13 : memref<128xi32, #tpu.memory_space<hbm>>) dst(%arg5 : memref<128xi32, #tpu.memory_space<vmem>>)
      tpu.yield
    }) : () -> ()
    %rem3A = arith.constant 2048 : i32
    %rem3A_5 = arith.remsi %add3A_4, %rem3A : i32
    "tpu.region"() ({
      %run_scoped3A = tpu.sem_alloc : memref<!tpu.dma_semaphore, #tpu.memory_space<semaphore_mem>>
      %dma_start3A_10 = arith.constant 0 : i32
      %dma_start3A_11 = tpu.memref_slice %arg2[%rem3A_5, %dma_start3A_10] : memref<2048x512xf32, #tpu.memory_space<hbm>> -> memref<128x512xf32, #tpu.memory_space<hbm>>
      %dma_start3A_12 = arith.constant 0 : i32
      %dma_start3A_13 = tpu.memref_slice %arg2[%rem3A_5, %dma_start3A_12] : memref<2048x512xf32, #tpu.memory_space<hbm>> -> memref<128x512xf32, #tpu.memory_space<hbm>>
      tpu.enqueue_dma source(%dma_start3A_13 : memref<128x512xf32, #tpu.memory_space<hbm>>) target(%arg6 : memref<128x512xf32, #tpu.memory_space<vmem>>) target_semaphore(%run_scoped3A : memref<!tpu.dma_semaphore, #tpu.memory_space<semaphore_mem>>)
      %dma_wait3A_14 = arith.constant 0 : i32
      %dma_wait3A_15 = tpu.memref_slice %arg2[%rem3A_5, %dma_wait3A_14] : memref<2048x512xf32, #tpu.memory_space<hbm>> -> memref<128x512xf32, #tpu.memory_space<hbm>>
      %dma_wait3A_16 = arith.constant 0 : i32
      %dma_wait3A_17 = tpu.memref_slice %arg2[%rem3A_5, %dma_wait3A_16] : memref<2048x512xf32, #tpu.memory_space<hbm>> -> memref<128x512xf32, #tpu.memory_space<hbm>>
      tpu.wait_dma2 semaphore(%run_scoped3A : memref<!tpu.dma_semaphore, #tpu.memory_space<semaphore_mem>>) src(%dma_wait3A_17 : memref<128x512xf32, #tpu.memory_space<hbm>>) dst(%arg6 : memref<128x512xf32, #tpu.memory_space<vmem>>)
      tpu.yield
    }) : () -> ()
    %dma_start3A = arith.constant 0 : i32
    %dma_start3A_6 = arith.constant 0 : i32
    %dma_start3A_7 = tpu.memref_slice %arg4[%dma_start3A, %dma_start3A_6] : memref<6144x512xf32, #tpu.memory_space<hbm>> -> memref<6144x512xf32, #tpu.memory_space<hbm>>
    tpu.enqueue_indirect_dma source(%arg6 : memref<128x512xf32, #tpu.memory_space<vmem>>) target(%dma_start3A_7 : memref<6144x512xf32, #tpu.memory_space<hbm>>) offsets(%arg5 : memref<128xi32, #tpu.memory_space<vmem>>) semaphore(%arg7 : memref<!tpu.dma_semaphore, #tpu.memory_space<semaphore_mem>>)
    %dma_wait3A = arith.constant 0 : i32
    %dma_wait3A_8 = arith.constant 0 : i32
    %dma_wait3A_9 = tpu.memref_slice %arg4[%dma_wait3A, %dma_wait3A_8] : memref<6144x512xf32, #tpu.memory_space<hbm>> -> memref<6144x512xf32, #tpu.memory_space<hbm>>
    tpu.wait_indirect_dma semaphore(%arg7 : memref<!tpu.dma_semaphore, #tpu.memory_space<semaphore_mem>>) src(%arg6 : memref<128x512xf32, #tpu.memory_space<vmem>>) dst(%dma_wait3A_9 : memref<6144x512xf32, #tpu.memory_space<hbm>>)
    return
  }
}

#map = affine_map<(d0, d1) -> (0, 0)>
#map1 = affine_map<(d0, d1) -> (0)>
module attributes {stable_mosaic.version = 14 : i64} {
  func.func @k(%arg0: i32, %arg1: i32, %arg2: memref<6144x512xf32, #tpu.memory_space<hbm>>, %arg3: memref<4096xi32, #tpu.memory_space<hbm>>, %arg4: memref<4096x512xf32, #tpu.memory_space<hbm>>, %arg5: memref<128xi32, #tpu.memory_space<vmem>>, %arg6: memref<128x512xf32, #tpu.memory_space<vmem>>, %arg7: memref<!tpu.dma_semaphore, #tpu.memory_space<semaphore_mem>>) attributes {dimension_semantics = [#tpu.dimension_semantics<core_parallel>, #tpu.dimension_semantics<subcore_parallel>], iteration_bounds = array<i64: 2, 16>, scalar_prefetch = 0 : i64, scratch_operands = 3 : i64, tpu.core_type = #tpu.core_type<sc_vector_subcore>, window_params = [{transform_indices = #map}, {transform_indices = #map1}, {transform_indices = #map}]} {
    %mul3A = arith.constant 2 : i32
    %mul3A_0 = arith.muli %arg1, %mul3A : i32
    %add3A = arith.addi %mul3A_0, %arg0 : i32
    %mul3A_1 = arith.constant 128 : i32
    %mul3A_2 = arith.muli %add3A, %mul3A_1 : i32
    %add3A_3 = arith.constant 0 : i32
    %add3A_4 = arith.addi %mul3A_2, %add3A_3 : i32
    "tpu.region"() ({
      %run_scoped3A = tpu.sem_alloc : memref<!tpu.dma_semaphore, #tpu.memory_space<semaphore_mem>>
      %dma_start3A_9 = tpu.memref_slice %arg3[%add3A_4] : memref<4096xi32, #tpu.memory_space<hbm>> -> memref<128xi32, #tpu.memory_space<hbm>>
      %dma_start3A_10 = tpu.memref_slice %arg3[%add3A_4] : memref<4096xi32, #tpu.memory_space<hbm>> -> memref<128xi32, #tpu.memory_space<hbm>>
      tpu.enqueue_dma source(%dma_start3A_10 : memref<128xi32, #tpu.memory_space<hbm>>) target(%arg5 : memref<128xi32, #tpu.memory_space<vmem>>) target_semaphore(%run_scoped3A : memref<!tpu.dma_semaphore, #tpu.memory_space<semaphore_mem>>)
      %dma_wait3A_11 = tpu.memref_slice %arg3[%add3A_4] : memref<4096xi32, #tpu.memory_space<hbm>> -> memref<128xi32, #tpu.memory_space<hbm>>
      %dma_wait3A_12 = tpu.memref_slice %arg3[%add3A_4] : memref<4096xi32, #tpu.memory_space<hbm>> -> memref<128xi32, #tpu.memory_space<hbm>>
      tpu.wait_dma2 semaphore(%run_scoped3A : memref<!tpu.dma_semaphore, #tpu.memory_space<semaphore_mem>>) src(%dma_wait3A_12 : memref<128xi32, #tpu.memory_space<hbm>>) dst(%arg5 : memref<128xi32, #tpu.memory_space<vmem>>)
      tpu.yield
    }) : () -> ()
    %dma_start3A = arith.constant 0 : i32
    %dma_start3A_5 = arith.constant 0 : i32
    %dma_start3A_6 = tpu.memref_slice %arg2[%dma_start3A, %dma_start3A_5] : memref<6144x512xf32, #tpu.memory_space<hbm>> -> memref<6144x512xf32, #tpu.memory_space<hbm>>
    tpu.enqueue_indirect_dma source(%dma_start3A_6 : memref<6144x512xf32, #tpu.memory_space<hbm>>) target(%arg6 : memref<128x512xf32, #tpu.memory_space<vmem>>) offsets(%arg5 : memref<128xi32, #tpu.memory_space<vmem>>) semaphore(%arg7 : memref<!tpu.dma_semaphore, #tpu.memory_space<semaphore_mem>>)
    %dma_wait3A = arith.constant 0 : i32
    %dma_wait3A_7 = arith.constant 0 : i32
    %dma_wait3A_8 = tpu.memref_slice %arg2[%dma_wait3A, %dma_wait3A_7] : memref<6144x512xf32, #tpu.memory_space<hbm>> -> memref<6144x512xf32, #tpu.memory_space<hbm>>
    tpu.wait_indirect_dma semaphore(%arg7 : memref<!tpu.dma_semaphore, #tpu.memory_space<semaphore_mem>>) src(%dma_wait3A_8 : memref<6144x512xf32, #tpu.memory_space<hbm>>) dst(%arg6 : memref<128x512xf32, #tpu.memory_space<vmem>>)
    "tpu.region"() ({
      %run_scoped3A = tpu.sem_alloc : memref<!tpu.dma_semaphore, #tpu.memory_space<semaphore_mem>>
      %dma_start3A_9 = arith.constant 0 : i32
      %dma_start3A_10 = tpu.memref_slice %arg4[%add3A_4, %dma_start3A_9] : memref<4096x512xf32, #tpu.memory_space<hbm>> -> memref<128x512xf32, #tpu.memory_space<hbm>>
      %dma_start3A_11 = arith.constant 0 : i32
      %dma_start3A_12 = tpu.memref_slice %arg4[%add3A_4, %dma_start3A_11] : memref<4096x512xf32, #tpu.memory_space<hbm>> -> memref<128x512xf32, #tpu.memory_space<hbm>>
      tpu.enqueue_dma source(%arg6 : memref<128x512xf32, #tpu.memory_space<vmem>>) target(%dma_start3A_12 : memref<128x512xf32, #tpu.memory_space<hbm>>) target_semaphore(%run_scoped3A : memref<!tpu.dma_semaphore, #tpu.memory_space<semaphore_mem>>)
      %dma_wait3A_13 = arith.constant 0 : i32
      %dma_wait3A_14 = tpu.memref_slice %arg4[%add3A_4, %dma_wait3A_13] : memref<4096x512xf32, #tpu.memory_space<hbm>> -> memref<128x512xf32, #tpu.memory_space<hbm>>
      %dma_wait3A_15 = arith.constant 0 : i32
      %dma_wait3A_16 = tpu.memref_slice %arg4[%add3A_4, %dma_wait3A_15] : memref<4096x512xf32, #tpu.memory_space<hbm>> -> memref<128x512xf32, #tpu.memory_space<hbm>>
      tpu.wait_dma2 semaphore(%run_scoped3A : memref<!tpu.dma_semaphore, #tpu.memory_space<semaphore_mem>>) src(%arg6 : memref<128x512xf32, #tpu.memory_space<vmem>>) dst(%dma_wait3A_16 : memref<128x512xf32, #tpu.memory_space<hbm>>)
      tpu.yield
    }) : () -> ()
    return
  }
}

module attributes {stable_mosaic.version = 14 : i64} {
  func.func @_shared_body(%arg0: i32, %arg1: memref<512x512xf32, #tpu.memory_space<vmem>>, %arg2: memref<512x1024xf32, #tpu.memory_space<vmem>>, %arg3: memref<512x1024xf32, #tpu.memory_space<vmem>>, %arg4: memref<1024x512xf32, #tpu.memory_space<vmem>>, %arg5: memref<512x512xf32, #tpu.memory_space<vmem>>, %arg6: memref<512x1024xbf16, #tpu.memory_space<vmem>>, %arg7: memref<512x1024xbf16, #tpu.memory_space<vmem>>, %arg8: memref<1024x512xbf16, #tpu.memory_space<vmem>>) attributes {dimension_semantics = [#tpu.dimension_semantics<arbitrary>], iteration_bounds = array<i64: 4>, scalar_prefetch = 0 : i64, scratch_operands = 3 : i64, tpu.core_type = #tpu.core_type<tc>, window_params = [{transform_indices = @transform_0, window_bounds = array<i64: 512, 512>}, {pipeline_mode = #tpu.pipeline_mode<synchronous>, transform_indices = @transform_1, window_bounds = array<i64: 512, 1024>}, {pipeline_mode = #tpu.pipeline_mode<synchronous>, transform_indices = @transform_2, window_bounds = array<i64: 512, 1024>}, {pipeline_mode = #tpu.pipeline_mode<synchronous>, transform_indices = @transform_3, window_bounds = array<i64: 1024, 512>}, {transform_indices = @transform_4, window_bounds = array<i64: 512, 512>}]} {
    %eq3A = arith.constant 0 : i32
    %eq3A_0 = arith.cmpi eq, %arg0, %eq3A : i32
    %convert_element_type3A = arith.extui %eq3A_0 : i1 to i32
    %cond3A = arith.constant 0 : i32
    %cond3A_1 = arith.cmpi ne, %convert_element_type3A, %cond3A : i32
    scf.if %cond3A_1 {
      %get3A_44 = arith.constant 0 : index
      %get3A_45 = arith.constant 0 : index
      %get3A_46 = vector.load %arg2[%get3A_44, %get3A_45] : memref<512x1024xf32, #tpu.memory_space<vmem>>, vector<512x1024xf32>
      %convert_element_type3A_47 = arith.truncf %get3A_46 : vector<512x1024xf32> to vector<512x1024xbf16>
      %swap3A_48 = arith.constant 0 : index
      %swap3A_49 = arith.constant 0 : index
      %swap3A_50 = vector.load %arg6[%swap3A_48, %swap3A_49] : memref<512x1024xbf16, #tpu.memory_space<vmem>>, vector<512x1024xbf16>
      tpu.vector_store %arg6[%swap3A_48, %swap3A_49], %convert_element_type3A_47 {strides = array<i32>} : memref<512x1024xbf16, #tpu.memory_space<vmem>>, vector<512x1024xbf16>,
      %get3A_51 = arith.constant 0 : index
      %get3A_52 = arith.constant 0 : index
      %get3A_53 = vector.load %arg3[%get3A_51, %get3A_52] : memref<512x1024xf32, #tpu.memory_space<vmem>>, vector<512x1024xf32>
      %convert_element_type3A_54 = arith.truncf %get3A_53 : vector<512x1024xf32> to vector<512x1024xbf16>
      %swap3A_55 = arith.constant 0 : index
      %swap3A_56 = arith.constant 0 : index
      %swap3A_57 = vector.load %arg7[%swap3A_55, %swap3A_56] : memref<512x1024xbf16, #tpu.memory_space<vmem>>, vector<512x1024xbf16>
      tpu.vector_store %arg7[%swap3A_55, %swap3A_56], %convert_element_type3A_54 {strides = array<i32>} : memref<512x1024xbf16, #tpu.memory_space<vmem>>, vector<512x1024xbf16>,
      %get3A_58 = arith.constant 0 : index
      %get3A_59 = arith.constant 0 : index
      %get3A_60 = vector.load %arg4[%get3A_58, %get3A_59] : memref<1024x512xf32, #tpu.memory_space<vmem>>, vector<1024x512xf32>
      %convert_element_type3A_61 = arith.truncf %get3A_60 : vector<1024x512xf32> to vector<1024x512xbf16>
      %swap3A_62 = arith.constant 0 : index
      %swap3A_63 = arith.constant 0 : index
      %swap3A_64 = vector.load %arg8[%swap3A_62, %swap3A_63] : memref<1024x512xbf16, #tpu.memory_space<vmem>>, vector<1024x512xbf16>
      tpu.vector_store %arg8[%swap3A_62, %swap3A_63], %convert_element_type3A_61 {strides = array<i32>} : memref<1024x512xbf16, #tpu.memory_space<vmem>>, vector<1024x512xbf16>,
    } else {
    }
    %get3A = arith.constant 0 : index
    %get3A_2 = arith.constant 0 : index
    %get3A_3 = vector.load %arg1[%get3A, %get3A_2] : memref<512x512xf32, #tpu.memory_space<vmem>>, vector<512x512xf32>
    %bitcast_convert_type3A = tpu.bitcast %get3A_3 : vector<512x512xf32> -> vector<512x512xi32>
    %and3A = arith.constant -65536 : i32
    %and3A_4 = vector.broadcast %and3A : i32 to vector<512x512xi32>
    %and3A_5 = arith.andi %bitcast_convert_type3A, %and3A_4 : vector<512x512xi32>
    %bitcast_convert_type3A_6 = tpu.bitcast %and3A_5 : vector<512x512xi32> -> vector<512x512xf32>
    %shift_left3A = arith.constant 16 : i32
    %shift_left3A_7 = vector.broadcast %shift_left3A : i32 to vector<512x512xi32>
    %shift_left3A_8 = arith.shli %bitcast_convert_type3A, %shift_left3A_7 : vector<512x512xi32>
    %bitcast_convert_type3A_9 = tpu.bitcast %shift_left3A_8 : vector<512x512xi32> -> vector<512x512xf32>
    %concatenate3A = tpu.concatenate %bitcast_convert_type3A_6, %bitcast_convert_type3A_9 in 1 : vector<512x512xf32>, vector<512x512xf32> -> vector<512x1024xf32>
    %convert_element_type3A_10 = arith.truncf %concatenate3A : vector<512x1024xf32> to vector<512x1024xbf16>
    %get3A_11 = arith.constant 0 : index
    %get3A_12 = arith.constant 0 : index
    %get3A_13 = vector.load %arg6[%get3A_11, %get3A_12] : memref<512x1024xbf16, #tpu.memory_space<vmem>>, vector<512x1024xbf16>
    %dot_general3A = arith.constant dense<0.000000e+00> : vector<512x512xf32>
    %dot_general3A_14 = tpu.matmul %convert_element_type3A_10, %get3A_13, %dot_general3A {dimension_numbers = #tpu.dot_dimension_numbers<[1], [1], [0], [0], [0, 0, 1, 0], [], []>, transpose_lhs_hint = false} : vector<512x1024xbf16>, vector<512x1024xbf16>, vector<512x512xf32> -> vector<512x512xf32>
    %get3A_15 = arith.constant 0 : index
    %get3A_16 = arith.constant 0 : index
    %get3A_17 = vector.load %arg7[%get3A_15, %get3A_16] : memref<512x1024xbf16, #tpu.memory_space<vmem>>, vector<512x1024xbf16>
    %dot_general3A_18 = arith.constant dense<0.000000e+00> : vector<512x512xf32>
    %dot_general3A_19 = tpu.matmul %convert_element_type3A_10, %get3A_17, %dot_general3A_18 {dimension_numbers = #tpu.dot_dimension_numbers<[1], [1], [0], [0], [0, 0, 1, 0], [], []>, transpose_lhs_hint = false} : vector<512x1024xbf16>, vector<512x1024xbf16>, vector<512x512xf32> -> vector<512x512xf32>
    %logistic3A = arith.negf %dot_general3A_14 : vector<512x512xf32>
    %logistic3A_20 = math.exp %logistic3A : vector<512x512xf32>
    %logistic3A_21 = arith.constant 1.000000e+00 : f32
    %logistic3A_22 = vector.broadcast %logistic3A_21 : f32 to vector<512x512xf32>
    %logistic3A_23 = arith.addf %logistic3A_22, %logistic3A_20 : vector<512x512xf32>
    %logistic3A_24 = arith.divf %logistic3A_22, %logistic3A_23 : vector<512x512xf32>
    %mul3A = arith.mulf %dot_general3A_14, %logistic3A_24 : vector<512x512xf32>
    %mul3A_25 = arith.mulf %mul3A, %dot_general3A_19 : vector<512x512xf32>
    %convert_element_type3A_26 = arith.truncf %mul3A_25 : vector<512x512xf32> to vector<512x512xbf16>
    %get3A_27 = arith.constant 0 : index
    %get3A_28 = arith.constant 0 : index
    %get3A_29 = vector.load %arg8[%get3A_27, %get3A_28] : memref<1024x512xbf16, #tpu.memory_space<vmem>>, vector<1024x512xbf16>
    %dot_general3A_30 = arith.constant dense<0.000000e+00> : vector<512x1024xf32>
    %dot_general3A_31 = tpu.matmul %convert_element_type3A_26, %get3A_29, %dot_general3A_30 {dimension_numbers = #tpu.dot_dimension_numbers<[1], [1], [0], [0], [0, 0, 1, 0], [], []>, transpose_lhs_hint = false} : vector<512x512xbf16>, vector<1024x512xbf16>, vector<512x1024xf32> -> vector<512x1024xf32>
    %slice3A = vector.extract_strided_slice %dot_general3A_31 {offsets = [0, 0], sizes = [512, 512], strides = [1, 1]} : vector<512x1024xf32> to vector<512x512xf32>
    %slice3A_32 = vector.extract_strided_slice %dot_general3A_31 {offsets = [0, 512], sizes = [512, 512], strides = [1, 1]} : vector<512x1024xf32> to vector<512x512xf32>
    %convert_element_type3A_33 = arith.truncf %slice3A : vector<512x512xf32> to vector<512x512xbf16>
    %convert_element_type3A_34 = arith.extf %convert_element_type3A_33 : vector<512x512xbf16> to vector<512x512xf32>
    %bitcast_convert_type3A_35 = tpu.bitcast %convert_element_type3A_34 : vector<512x512xf32> -> vector<512x512xi32>
    %convert_element_type3A_36 = arith.truncf %slice3A_32 : vector<512x512xf32> to vector<512x512xbf16>
    %convert_element_type3A_37 = arith.extf %convert_element_type3A_36 : vector<512x512xbf16> to vector<512x512xf32>
    %bitcast_convert_type3A_38 = tpu.bitcast %convert_element_type3A_37 : vector<512x512xf32> -> vector<512x512xi32>
    %shift_right_logical3A = arith.constant 16 : i32
    %shift_right_logical3A_39 = vector.broadcast %shift_right_logical3A : i32 to vector<512x512xi32>
    %shift_right_logical3A_40 = arith.shrui %bitcast_convert_type3A_38, %shift_right_logical3A_39 : vector<512x512xi32>
    %or3A = arith.ori %bitcast_convert_type3A_35, %shift_right_logical3A_40 : vector<512x512xi32>
    %bitcast_convert_type3A_41 = tpu.bitcast %or3A : vector<512x512xi32> -> vector<512x512xf32>
    %swap3A = arith.constant 0 : index
    %swap3A_42 = arith.constant 0 : index
    %swap3A_43 = vector.load %arg5[%swap3A, %swap3A_42] : memref<512x512xf32, #tpu.memory_space<vmem>>, vector<512x512xf32>
    tpu.vector_store %arg5[%swap3A, %swap3A_42], %bitcast_convert_type3A_41 {strides = array<i32>} : memref<512x512xf32, #tpu.memory_space<vmem>>, vector<512x512xf32>,
    return
  }
  func.func @transform_0(%arg0: i32) -> (i32, i32) {
    %c0_i32 = arith.constant 0 : i32
    %c0_i32_0 = arith.constant 0 : i32
    return %arg0, %c0_i32 : i32, i32
  }
  func.func @transform_1(%arg0: i32) -> (i32, i32) {
    %c0_i32 = arith.constant 0 : i32
    %c0_i32_0 = arith.constant 0 : i32
    %c0_i32_1 = arith.constant 0 : i32
    return %c0_i32, %c0_i32_0 : i32, i32
  }
  func.func @transform_2(%arg0: i32) -> (i32, i32) {
    %c0_i32 = arith.constant 0 : i32
    %c0_i32_0 = arith.constant 0 : i32
    %c0_i32_1 = arith.constant 0 : i32
    return %c0_i32, %c0_i32_0 : i32, i32
  }
  func.func @transform_3(%arg0: i32) -> (i32, i32) {
    %c0_i32 = arith.constant 0 : i32
    %c0_i32_0 = arith.constant 0 : i32
    %c0_i32_1 = arith.constant 0 : i32
    return %c0_i32, %c0_i32_0 : i32, i32
  }
  func.func @transform_4(%arg0: i32) -> (i32, i32) {
    %c0_i32 = arith.constant 0 : i32
    %c0_i32_0 = arith.constant 0 : i32
    return %arg0, %c0_i32 : i32, i32
  }
}

module attributes {stable_mosaic.version = 14 : i64} {
  func.func @_group_body(%arg0: i32, %arg1: memref<24xi32, #tpu.memory_space<smem>>, %arg2: memref<24xi32, #tpu.memory_space<smem>>, %arg3: memref<256x512xf32, #tpu.memory_space<vmem>>, %arg4: memref<8x512x1024xf32, #tpu.memory_space<hbm>>, %arg5: memref<8x512x1024xf32, #tpu.memory_space<hbm>>, %arg6: memref<8x1024x512xf32, #tpu.memory_space<hbm>>, %arg7: memref<256x512xf32, #tpu.memory_space<vmem>>, %arg8: memref<2x512x1024xf32, #tpu.memory_space<vmem>>, %arg9: memref<2x512x1024xf32, #tpu.memory_space<vmem>>, %arg10: memref<2x1024x512xf32, #tpu.memory_space<vmem>>, %arg11: memref<512x1024xbf16, #tpu.memory_space<vmem>>, %arg12: memref<512x1024xbf16, #tpu.memory_space<vmem>>, %arg13: memref<1024x512xbf16, #tpu.memory_space<vmem>>, %arg14: memref<1xi32, #tpu.memory_space<smem>>, %arg15: memref<2x!tpu.dma_semaphore, #tpu.memory_space<semaphore_mem>>) attributes {dimension_semantics = [#tpu.dimension_semantics<arbitrary>], iteration_bounds = array<i64: 24>, scalar_prefetch = 2 : i64, scratch_operands = 8 : i64, tpu.core_type = #tpu.core_type<tc>, window_params = [{transform_indices = @transform_0, window_bounds = array<i64: 256, 512>}, {}, {}, {}, {transform_indices = @transform_4, window_bounds = array<i64: 256, 512>}]} {
    %get3A = arith.index_cast %arg0 : i32 to index
    %get3A_0 = memref.load %arg1[%get3A] : memref<24xi32, #tpu.memory_space<smem>>
    %eq3A = arith.constant 0 : i32
    %eq3A_1 = arith.cmpi eq, %arg0, %eq3A : i32
    %sub3A = arith.constant 1 : i32
    %sub3A_2 = arith.subi %arg0, %sub3A : i32
    %max3A = arith.constant 0 : i32
    %max3A_3 = arith.maxsi %sub3A_2, %max3A : i32
    %get3A_4 = arith.index_cast %max3A_3 : i32 to index
    %get3A_5 = memref.load %arg1[%get3A_4] : memref<24xi32, #tpu.memory_space<smem>>
    %ne3A = arith.cmpi ne, %get3A_0, %get3A_5 : i32
    %or3A = arith.ori %eq3A_1, %ne3A : i1
    %eq3A_6 = arith.constant 0 : i32
    %eq3A_7 = arith.cmpi eq, %arg0, %eq3A_6 : i32
    %convert_element_type3A = arith.extui %eq3A_7 : i1 to i32
    %cond3A = arith.constant 0 : i32
    %cond3A_8 = arith.cmpi ne, %convert_element_type3A, %cond3A : i32
    scf.if %cond3A_8 {
      %dma_start3A = arith.constant 0 : i32
      %dma_start3A_18 = arith.constant 0 : i32
      %dma_start3A_19 = tpu.memref_slice %arg15[%dma_start3A_18] : memref<2x!tpu.dma_semaphore, #tpu.memory_space<semaphore_mem>> -> memref<1x!tpu.dma_semaphore, #tpu.memory_space<semaphore_mem>>
      %dma_start3A_20 = tpu.memref_squeeze %dma_start3A_19 : memref<1x!tpu.dma_semaphore, #tpu.memory_space<semaphore_mem>> -> memref<!tpu.dma_semaphore, #tpu.memory_space<semaphore_mem>>
      %dma_start3A_21 = arith.constant 0 : i32
      %dma_start3A_22 = arith.constant 0 : i32
      %dma_start3A_23 = tpu.memref_slice %arg8[%dma_start3A, %dma_start3A_21, %dma_start3A_22] : memref<2x512x1024xf32, #tpu.memory_space<vmem>> -> memref<1x512x1024xf32, #tpu.memory_space<vmem>>
      %dma_start3A_24 = tpu.memref_squeeze %dma_start3A_23 : memref<1x512x1024xf32, #tpu.memory_space<vmem>> -> memref<512x1024xf32, #tpu.memory_space<vmem>>
      %dma_start3A_25 = arith.constant 0 : i32
      %dma_start3A_26 = arith.constant 0 : i32
      %dma_start3A_27 = tpu.memref_slice %arg4[%get3A_0, %dma_start3A_25, %dma_start3A_26] : memref<8x512x1024xf32, #tpu.memory_space<hbm>> -> memref<1x512x1024xf32, #tpu.memory_space<hbm>>
      %dma_start3A_28 = tpu.memref_squeeze %dma_start3A_27 : memref<1x512x1024xf32, #tpu.memory_space<hbm>> -> memref<512x1024xf32, #tpu.memory_space<hbm>>
      tpu.enqueue_dma source(%dma_start3A_28 : memref<512x1024xf32, #tpu.memory_space<hbm>>) target(%dma_start3A_24 : memref<512x1024xf32, #tpu.memory_space<vmem>>) target_semaphore(%dma_start3A_20 : memref<!tpu.dma_semaphore, #tpu.memory_space<semaphore_mem>>)
      %dma_start3A_29 = arith.constant 0 : i32
      %dma_start3A_30 = arith.constant 0 : i32
      %dma_start3A_31 = tpu.memref_slice %arg15[%dma_start3A_30] : memref<2x!tpu.dma_semaphore, #tpu.memory_space<semaphore_mem>> -> memref<1x!tpu.dma_semaphore, #tpu.memory_space<semaphore_mem>>
      %dma_start3A_32 = tpu.memref_squeeze %dma_start3A_31 : memref<1x!tpu.dma_semaphore, #tpu.memory_space<semaphore_mem>> -> memref<!tpu.dma_semaphore, #tpu.memory_space<semaphore_mem>>
      %dma_start3A_33 = arith.constant 0 : i32
      %dma_start3A_34 = arith.constant 0 : i32
      %dma_start3A_35 = tpu.memref_slice %arg9[%dma_start3A_29, %dma_start3A_33, %dma_start3A_34] : memref<2x512x1024xf32, #tpu.memory_space<vmem>> -> memref<1x512x1024xf32, #tpu.memory_space<vmem>>
      %dma_start3A_36 = tpu.memref_squeeze %dma_start3A_35 : memref<1x512x1024xf32, #tpu.memory_space<vmem>> -> memref<512x1024xf32, #tpu.memory_space<vmem>>
      %dma_start3A_37 = arith.constant 0 : i32
      %dma_start3A_38 = arith.constant 0 : i32
      %dma_start3A_39 = tpu.memref_slice %arg5[%get3A_0, %dma_start3A_37, %dma_start3A_38] : memref<8x512x1024xf32, #tpu.memory_space<hbm>> -> memref<1x512x1024xf32, #tpu.memory_space<hbm>>
      %dma_start3A_40 = tpu.memref_squeeze %dma_start3A_39 : memref<1x512x1024xf32, #tpu.memory_space<hbm>> -> memref<512x1024xf32, #tpu.memory_space<hbm>>
      tpu.enqueue_dma source(%dma_start3A_40 : memref<512x1024xf32, #tpu.memory_space<hbm>>) target(%dma_start3A_36 : memref<512x1024xf32, #tpu.memory_space<vmem>>) target_semaphore(%dma_start3A_32 : memref<!tpu.dma_semaphore, #tpu.memory_space<semaphore_mem>>)
      %dma_start3A_41 = arith.constant 0 : i32
      %dma_start3A_42 = arith.constant 0 : i32
      %dma_start3A_43 = tpu.memref_slice %arg15[%dma_start3A_42] : memref<2x!tpu.dma_semaphore, #tpu.memory_space<semaphore_mem>> -> memref<1x!tpu.dma_semaphore, #tpu.memory_space<semaphore_mem>>
      %dma_start3A_44 = tpu.memref_squeeze %dma_start3A_43 : memref<1x!tpu.dma_semaphore, #tpu.memory_space<semaphore_mem>> -> memref<!tpu.dma_semaphore, #tpu.memory_space<semaphore_mem>>
      %dma_start3A_45 = arith.constant 0 : i32
      %dma_start3A_46 = arith.constant 0 : i32
      %dma_start3A_47 = tpu.memref_slice %arg10[%dma_start3A_41, %dma_start3A_45, %dma_start3A_46] : memref<2x1024x512xf32, #tpu.memory_space<vmem>> -> memref<1x1024x512xf32, #tpu.memory_space<vmem>>
      %dma_start3A_48 = tpu.memref_squeeze %dma_start3A_47 : memref<1x1024x512xf32, #tpu.memory_space<vmem>> -> memref<1024x512xf32, #tpu.memory_space<vmem>>
      %dma_start3A_49 = arith.constant 0 : i32
      %dma_start3A_50 = arith.constant 0 : i32
      %dma_start3A_51 = tpu.memref_slice %arg6[%get3A_0, %dma_start3A_49, %dma_start3A_50] : memref<8x1024x512xf32, #tpu.memory_space<hbm>> -> memref<1x1024x512xf32, #tpu.memory_space<hbm>>
      %dma_start3A_52 = tpu.memref_squeeze %dma_start3A_51 : memref<1x1024x512xf32, #tpu.memory_space<hbm>> -> memref<1024x512xf32, #tpu.memory_space<hbm>>
      tpu.enqueue_dma source(%dma_start3A_52 : memref<1024x512xf32, #tpu.memory_space<hbm>>) target(%dma_start3A_48 : memref<1024x512xf32, #tpu.memory_space<vmem>>) target_semaphore(%dma_start3A_44 : memref<!tpu.dma_semaphore, #tpu.memory_space<semaphore_mem>>)
      %swap3A = arith.constant 1 : i32
      %swap3A_53 = arith.constant 0 : index
      %swap3A_54 = memref.load %arg14[%swap3A_53] : memref<1xi32, #tpu.memory_space<smem>>
      memref.store %swap3A, %arg14[%swap3A_53] : memref<1xi32, #tpu.memory_space<smem>>
    } else {
    }
    %ge3A = arith.constant 0 : i32
    %ge3A_9 = arith.cmpi sge, %get3A_0, %ge3A : i32
    %and3A = arith.andi %or3A, %ge3A_9 : i1
    %convert_element_type3A_10 = arith.extui %and3A : i1 to i32
    %cond3A_11 = arith.constant 0 : i32
    %cond3A_12 = arith.cmpi ne, %convert_element_type3A_10, %cond3A_11 : i32
    scf.if %cond3A_12 {
      %get3A_18 = arith.constant 0 : index
      %get3A_19 = memref.load %arg14[%get3A_18] : memref<1xi32, #tpu.memory_space<smem>>
      %xor3A = arith.constant 1 : i32
      %xor3A_20 = arith.xori %get3A_19, %xor3A : i32
      %dma_wait3A = tpu.memref_slice %arg15[%xor3A_20] : memref<2x!tpu.dma_semaphore, #tpu.memory_space<semaphore_mem>> -> memref<1x!tpu.dma_semaphore, #tpu.memory_space<semaphore_mem>>
      %dma_wait3A_21 = tpu.memref_squeeze %dma_wait3A : memref<1x!tpu.dma_semaphore, #tpu.memory_space<semaphore_mem>> -> memref<!tpu.dma_semaphore, #tpu.memory_space<semaphore_mem>>
      %dma_wait3A_22 = arith.constant 0 : i32
      %dma_wait3A_23 = arith.constant 0 : i32
      %dma_wait3A_24 = tpu.memref_slice %arg8[%xor3A_20, %dma_wait3A_22, %dma_wait3A_23] : memref<2x512x1024xf32, #tpu.memory_space<vmem>> -> memref<1x512x1024xf32, #tpu.memory_space<vmem>>
      %dma_wait3A_25 = tpu.memref_squeeze %dma_wait3A_24 : memref<1x512x1024xf32, #tpu.memory_space<vmem>> -> memref<512x1024xf32, #tpu.memory_space<vmem>>
      %dma_wait3A_26 = arith.constant 0 : i32
      %dma_wait3A_27 = arith.constant 0 : i32
      %dma_wait3A_28 = tpu.memref_slice %arg4[%get3A_0, %dma_wait3A_26, %dma_wait3A_27] : memref<8x512x1024xf32, #tpu.memory_space<hbm>> -> memref<1x512x1024xf32, #tpu.memory_space<hbm>>
      %dma_wait3A_29 = tpu.memref_squeeze %dma_wait3A_28 : memref<1x512x1024xf32, #tpu.memory_space<hbm>> -> memref<512x1024xf32, #tpu.memory_space<hbm>>
      tpu.wait_dma2 semaphore(%dma_wait3A_21 : memref<!tpu.dma_semaphore, #tpu.memory_space<semaphore_mem>>) src(%dma_wait3A_29 : memref<512x1024xf32, #tpu.memory_space<hbm>>) dst(%dma_wait3A_25 : memref<512x1024xf32, #tpu.memory_space<vmem>>)
      %dma_wait3A_30 = tpu.memref_slice %arg15[%xor3A_20] : memref<2x!tpu.dma_semaphore, #tpu.memory_space<semaphore_mem>> -> memref<1x!tpu.dma_semaphore, #tpu.memory_space<semaphore_mem>>
      %dma_wait3A_31 = tpu.memref_squeeze %dma_wait3A_30 : memref<1x!tpu.dma_semaphore, #tpu.memory_space<semaphore_mem>> -> memref<!tpu.dma_semaphore, #tpu.memory_space<semaphore_mem>>
      %dma_wait3A_32 = arith.constant 0 : i32
      %dma_wait3A_33 = arith.constant 0 : i32
      %dma_wait3A_34 = tpu.memref_slice %arg9[%xor3A_20, %dma_wait3A_32, %dma_wait3A_33] : memref<2x512x1024xf32, #tpu.memory_space<vmem>> -> memref<1x512x1024xf32, #tpu.memory_space<vmem>>
      %dma_wait3A_35 = tpu.memref_squeeze %dma_wait3A_34 : memref<1x512x1024xf32, #tpu.memory_space<vmem>> -> memref<512x1024xf32, #tpu.memory_space<vmem>>
      %dma_wait3A_36 = arith.constant 0 : i32
      %dma_wait3A_37 = arith.constant 0 : i32
      %dma_wait3A_38 = tpu.memref_slice %arg5[%get3A_0, %dma_wait3A_36, %dma_wait3A_37] : memref<8x512x1024xf32, #tpu.memory_space<hbm>> -> memref<1x512x1024xf32, #tpu.memory_space<hbm>>
      %dma_wait3A_39 = tpu.memref_squeeze %dma_wait3A_38 : memref<1x512x1024xf32, #tpu.memory_space<hbm>> -> memref<512x1024xf32, #tpu.memory_space<hbm>>
      tpu.wait_dma2 semaphore(%dma_wait3A_31 : memref<!tpu.dma_semaphore, #tpu.memory_space<semaphore_mem>>) src(%dma_wait3A_39 : memref<512x1024xf32, #tpu.memory_space<hbm>>) dst(%dma_wait3A_35 : memref<512x1024xf32, #tpu.memory_space<vmem>>)
      %dma_wait3A_40 = tpu.memref_slice %arg15[%xor3A_20] : memref<2x!tpu.dma_semaphore, #tpu.memory_space<semaphore_mem>> -> memref<1x!tpu.dma_semaphore, #tpu.memory_space<semaphore_mem>>
      %dma_wait3A_41 = tpu.memref_squeeze %dma_wait3A_40 : memref<1x!tpu.dma_semaphore, #tpu.memory_space<semaphore_mem>> -> memref<!tpu.dma_semaphore, #tpu.memory_space<semaphore_mem>>
      %dma_wait3A_42 = arith.constant 0 : i32
      %dma_wait3A_43 = arith.constant 0 : i32
      %dma_wait3A_44 = tpu.memref_slice %arg10[%xor3A_20, %dma_wait3A_42, %dma_wait3A_43] : memref<2x1024x512xf32, #tpu.memory_space<vmem>> -> memref<1x1024x512xf32, #tpu.memory_space<vmem>>
      %dma_wait3A_45 = tpu.memref_squeeze %dma_wait3A_44 : memref<1x1024x512xf32, #tpu.memory_space<vmem>> -> memref<1024x512xf32, #tpu.memory_space<vmem>>
      %dma_wait3A_46 = arith.constant 0 : i32
      %dma_wait3A_47 = arith.constant 0 : i32
      %dma_wait3A_48 = tpu.memref_slice %arg6[%get3A_0, %dma_wait3A_46, %dma_wait3A_47] : memref<8x1024x512xf32, #tpu.memory_space<hbm>> -> memref<1x1024x512xf32, #tpu.memory_space<hbm>>
      %dma_wait3A_49 = tpu.memref_squeeze %dma_wait3A_48 : memref<1x1024x512xf32, #tpu.memory_space<hbm>> -> memref<1024x512xf32, #tpu.memory_space<hbm>>
      tpu.wait_dma2 semaphore(%dma_wait3A_41 : memref<!tpu.dma_semaphore, #tpu.memory_space<semaphore_mem>>) src(%dma_wait3A_49 : memref<1024x512xf32, #tpu.memory_space<hbm>>) dst(%dma_wait3A_45 : memref<1024x512xf32, #tpu.memory_space<vmem>>)
      %get3A_50 = arith.index_cast %xor3A_20 : i32 to index
      %get3A_51 = arith.constant 0 : index
      %get3A_52 = arith.constant 0 : index
      %get3A_53 = vector.load %arg8[%get3A_50, %get3A_51, %get3A_52] : memref<2x512x1024xf32, #tpu.memory_space<vmem>>, vector<1x512x1024xf32>
      %get3A_54 = vector.shape_cast %get3A_53 : vector<1x512x1024xf32> to vector<512x1024xf32>
      %convert_element_type3A_55 = arith.truncf %get3A_54 : vector<512x1024xf32> to vector<512x1024xbf16>
      %swap3A = arith.constant 0 : index
      %swap3A_56 = arith.constant 0 : index
      %swap3A_57 = vector.load %arg11[%swap3A, %swap3A_56] : memref<512x1024xbf16, #tpu.memory_space<vmem>>, vector<512x1024xbf16>
      tpu.vector_store %arg11[%swap3A, %swap3A_56], %convert_element_type3A_55 {strides = array<i32>} : memref<512x1024xbf16, #tpu.memory_space<vmem>>, vector<512x1024xbf16>,
      %get3A_58 = arith.index_cast %xor3A_20 : i32 to index
      %get3A_59 = arith.constant 0 : index
      %get3A_60 = arith.constant 0 : index
      %get3A_61 = vector.load %arg9[%get3A_58, %get3A_59, %get3A_60] : memref<2x512x1024xf32, #tpu.memory_space<vmem>>, vector<1x512x1024xf32>
      %get3A_62 = vector.shape_cast %get3A_61 : vector<1x512x1024xf32> to vector<512x1024xf32>
      %convert_element_type3A_63 = arith.truncf %get3A_62 : vector<512x1024xf32> to vector<512x1024xbf16>
      %swap3A_64 = arith.constant 0 : index
      %swap3A_65 = arith.constant 0 : index
      %swap3A_66 = vector.load %arg12[%swap3A_64, %swap3A_65] : memref<512x1024xbf16, #tpu.memory_space<vmem>>, vector<512x1024xbf16>
      tpu.vector_store %arg12[%swap3A_64, %swap3A_65], %convert_element_type3A_63 {strides = array<i32>} : memref<512x1024xbf16, #tpu.memory_space<vmem>>, vector<512x1024xbf16>,
      %get3A_67 = arith.index_cast %xor3A_20 : i32 to index
      %get3A_68 = arith.constant 0 : index
      %get3A_69 = arith.constant 0 : index
      %get3A_70 = vector.load %arg10[%get3A_67, %get3A_68, %get3A_69] : memref<2x1024x512xf32, #tpu.memory_space<vmem>>, vector<1x1024x512xf32>
      %get3A_71 = vector.shape_cast %get3A_70 : vector<1x1024x512xf32> to vector<1024x512xf32>
      %convert_element_type3A_72 = arith.truncf %get3A_71 : vector<1024x512xf32> to vector<1024x512xbf16>
      %swap3A_73 = arith.constant 0 : index
      %swap3A_74 = arith.constant 0 : index
      %swap3A_75 = vector.load %arg13[%swap3A_73, %swap3A_74] : memref<1024x512xbf16, #tpu.memory_space<vmem>>, vector<1024x512xbf16>
      tpu.vector_store %arg13[%swap3A_73, %swap3A_74], %convert_element_type3A_72 {strides = array<i32>} : memref<1024x512xbf16, #tpu.memory_space<vmem>>, vector<1024x512xbf16>,
      %swap3A_76 = arith.constant 0 : index
      %swap3A_77 = memref.load %arg14[%swap3A_76] : memref<1xi32, #tpu.memory_space<smem>>
      memref.store %xor3A_20, %arg14[%swap3A_76] : memref<1xi32, #tpu.memory_space<smem>>
      %get3A_78 = arith.index_cast %arg0 : i32 to index
      %get3A_79 = memref.load %arg2[%get3A_78] : memref<24xi32, #tpu.memory_space<smem>>
      %ge3A_80 = arith.constant 0 : i32
      %ge3A_81 = arith.cmpi sge, %get3A_79, %ge3A_80 : i32
      %convert_element_type3A_82 = arith.extui %ge3A_81 : i1 to i32
      %cond3A_83 = arith.constant 0 : i32
      %cond3A_84 = arith.cmpi ne, %convert_element_type3A_82, %cond3A_83 : i32
      scf.if %cond3A_84 {
        %xor3A_85 = arith.constant 1 : i32
        %xor3A_86 = arith.xori %xor3A_20, %xor3A_85 : i32
        %dma_start3A = tpu.memref_slice %arg15[%xor3A_86] : memref<2x!tpu.dma_semaphore, #tpu.memory_space<semaphore_mem>> -> memref<1x!tpu.dma_semaphore, #tpu.memory_space<semaphore_mem>>
        %dma_start3A_87 = tpu.memref_squeeze %dma_start3A : memref<1x!tpu.dma_semaphore, #tpu.memory_space<semaphore_mem>> -> memref<!tpu.dma_semaphore, #tpu.memory_space<semaphore_mem>>
        %dma_start3A_88 = arith.constant 0 : i32
        %dma_start3A_89 = arith.constant 0 : i32
        %dma_start3A_90 = tpu.memref_slice %arg8[%xor3A_86, %dma_start3A_88, %dma_start3A_89] : memref<2x512x1024xf32, #tpu.memory_space<vmem>> -> memref<1x512x1024xf32, #tpu.memory_space<vmem>>
        %dma_start3A_91 = tpu.memref_squeeze %dma_start3A_90 : memref<1x512x1024xf32, #tpu.memory_space<vmem>> -> memref<512x1024xf32, #tpu.memory_space<vmem>>
        %dma_start3A_92 = arith.constant 0 : i32
        %dma_start3A_93 = arith.constant 0 : i32
        %dma_start3A_94 = tpu.memref_slice %arg4[%get3A_79, %dma_start3A_92, %dma_start3A_93] : memref<8x512x1024xf32, #tpu.memory_space<hbm>> -> memref<1x512x1024xf32, #tpu.memory_space<hbm>>
        %dma_start3A_95 = tpu.memref_squeeze %dma_start3A_94 : memref<1x512x1024xf32, #tpu.memory_space<hbm>> -> memref<512x1024xf32, #tpu.memory_space<hbm>>
        tpu.enqueue_dma source(%dma_start3A_95 : memref<512x1024xf32, #tpu.memory_space<hbm>>) target(%dma_start3A_91 : memref<512x1024xf32, #tpu.memory_space<vmem>>) target_semaphore(%dma_start3A_87 : memref<!tpu.dma_semaphore, #tpu.memory_space<semaphore_mem>>)
        %dma_start3A_96 = tpu.memref_slice %arg15[%xor3A_86] : memref<2x!tpu.dma_semaphore, #tpu.memory_space<semaphore_mem>> -> memref<1x!tpu.dma_semaphore, #tpu.memory_space<semaphore_mem>>
        %dma_start3A_97 = tpu.memref_squeeze %dma_start3A_96 : memref<1x!tpu.dma_semaphore, #tpu.memory_space<semaphore_mem>> -> memref<!tpu.dma_semaphore, #tpu.memory_space<semaphore_mem>>
        %dma_start3A_98 = arith.constant 0 : i32
        %dma_start3A_99 = arith.constant 0 : i32
        %dma_start3A_100 = tpu.memref_slice %arg9[%xor3A_86, %dma_start3A_98, %dma_start3A_99] : memref<2x512x1024xf32, #tpu.memory_space<vmem>> -> memref<1x512x1024xf32, #tpu.memory_space<vmem>>
        %dma_start3A_101 = tpu.memref_squeeze %dma_start3A_100 : memref<1x512x1024xf32, #tpu.memory_space<vmem>> -> memref<512x1024xf32, #tpu.memory_space<vmem>>
        %dma_start3A_102 = arith.constant 0 : i32
        %dma_start3A_103 = arith.constant 0 : i32
        %dma_start3A_104 = tpu.memref_slice %arg5[%get3A_79, %dma_start3A_102, %dma_start3A_103] : memref<8x512x1024xf32, #tpu.memory_space<hbm>> -> memref<1x512x1024xf32, #tpu.memory_space<hbm>>
        %dma_start3A_105 = tpu.memref_squeeze %dma_start3A_104 : memref<1x512x1024xf32, #tpu.memory_space<hbm>> -> memref<512x1024xf32, #tpu.memory_space<hbm>>
        tpu.enqueue_dma source(%dma_start3A_105 : memref<512x1024xf32, #tpu.memory_space<hbm>>) target(%dma_start3A_101 : memref<512x1024xf32, #tpu.memory_space<vmem>>) target_semaphore(%dma_start3A_97 : memref<!tpu.dma_semaphore, #tpu.memory_space<semaphore_mem>>)
        %dma_start3A_106 = tpu.memref_slice %arg15[%xor3A_86] : memref<2x!tpu.dma_semaphore, #tpu.memory_space<semaphore_mem>> -> memref<1x!tpu.dma_semaphore, #tpu.memory_space<semaphore_mem>>
        %dma_start3A_107 = tpu.memref_squeeze %dma_start3A_106 : memref<1x!tpu.dma_semaphore, #tpu.memory_space<semaphore_mem>> -> memref<!tpu.dma_semaphore, #tpu.memory_space<semaphore_mem>>
        %dma_start3A_108 = arith.constant 0 : i32
        %dma_start3A_109 = arith.constant 0 : i32
        %dma_start3A_110 = tpu.memref_slice %arg10[%xor3A_86, %dma_start3A_108, %dma_start3A_109] : memref<2x1024x512xf32, #tpu.memory_space<vmem>> -> memref<1x1024x512xf32, #tpu.memory_space<vmem>>
        %dma_start3A_111 = tpu.memref_squeeze %dma_start3A_110 : memref<1x1024x512xf32, #tpu.memory_space<vmem>> -> memref<1024x512xf32, #tpu.memory_space<vmem>>
        %dma_start3A_112 = arith.constant 0 : i32
        %dma_start3A_113 = arith.constant 0 : i32
        %dma_start3A_114 = tpu.memref_slice %arg6[%get3A_79, %dma_start3A_112, %dma_start3A_113] : memref<8x1024x512xf32, #tpu.memory_space<hbm>> -> memref<1x1024x512xf32, #tpu.memory_space<hbm>>
        %dma_start3A_115 = tpu.memref_squeeze %dma_start3A_114 : memref<1x1024x512xf32, #tpu.memory_space<hbm>> -> memref<1024x512xf32, #tpu.memory_space<hbm>>
        tpu.enqueue_dma source(%dma_start3A_115 : memref<1024x512xf32, #tpu.memory_space<hbm>>) target(%dma_start3A_111 : memref<1024x512xf32, #tpu.memory_space<vmem>>) target_semaphore(%dma_start3A_107 : memref<!tpu.dma_semaphore, #tpu.memory_space<semaphore_mem>>)
      } else {
      }
    } else {
    }
    %ge3A_13 = arith.constant 0 : i32
    %ge3A_14 = arith.cmpi sge, %get3A_0, %ge3A_13 : i32
    %convert_element_type3A_15 = arith.extui %ge3A_14 : i1 to i32
    %cond3A_16 = arith.constant 0 : i32
    %cond3A_17 = arith.cmpi ne, %convert_element_type3A_15, %cond3A_16 : i32
    scf.if %cond3A_17 {
      %get3A_18 = arith.constant 0 : index
      %get3A_19 = arith.constant 0 : index
      %get3A_20 = vector.load %arg3[%get3A_18, %get3A_19] : memref<256x512xf32, #tpu.memory_space<vmem>>, vector<256x512xf32>
      %bitcast_convert_type3A = tpu.bitcast %get3A_20 : vector<256x512xf32> -> vector<256x512xi32>
      %and3A_21 = arith.constant -65536 : i32
      %and3A_22 = vector.broadcast %and3A_21 : i32 to vector<256x512xi32>
      %and3A_23 = arith.andi %bitcast_convert_type3A, %and3A_22 : vector<256x512xi32>
      %bitcast_convert_type3A_24 = tpu.bitcast %and3A_23 : vector<256x512xi32> -> vector<256x512xf32>
      %shift_left3A = arith.constant 16 : i32
      %shift_left3A_25 = vector.broadcast %shift_left3A : i32 to vector<256x512xi32>
      %shift_left3A_26 = arith.shli %bitcast_convert_type3A, %shift_left3A_25 : vector<256x512xi32>
      %bitcast_convert_type3A_27 = tpu.bitcast %shift_left3A_26 : vector<256x512xi32> -> vector<256x512xf32>
      %concatenate3A = tpu.concatenate %bitcast_convert_type3A_24, %bitcast_convert_type3A_27 in 1 : vector<256x512xf32>, vector<256x512xf32> -> vector<256x1024xf32>
      %convert_element_type3A_28 = arith.truncf %concatenate3A : vector<256x1024xf32> to vector<256x1024xbf16>
      %get3A_29 = arith.constant 0 : index
      %get3A_30 = arith.constant 0 : index
      %get3A_31 = vector.load %arg11[%get3A_29, %get3A_30] : memref<512x1024xbf16, #tpu.memory_space<vmem>>, vector<512x1024xbf16>
      %dot_general3A = arith.constant dense<0.000000e+00> : vector<256x512xf32>
      %dot_general3A_32 = tpu.matmul %convert_element_type3A_28, %get3A_31, %dot_general3A {dimension_numbers = #tpu.dot_dimension_numbers<[1], [1], [0], [0], [0, 0, 1, 0], [], []>, transpose_lhs_hint = false} : vector<256x1024xbf16>, vector<512x1024xbf16>, vector<256x512xf32> -> vector<256x512xf32>
      %get3A_33 = arith.constant 0 : index
      %get3A_34 = arith.constant 0 : index
      %get3A_35 = vector.load %arg12[%get3A_33, %get3A_34] : memref<512x1024xbf16, #tpu.memory_space<vmem>>, vector<512x1024xbf16>
      %dot_general3A_36 = arith.constant dense<0.000000e+00> : vector<256x512xf32>
      %dot_general3A_37 = tpu.matmul %convert_element_type3A_28, %get3A_35, %dot_general3A_36 {dimension_numbers = #tpu.dot_dimension_numbers<[1], [1], [0], [0], [0, 0, 1, 0], [], []>, transpose_lhs_hint = false} : vector<256x1024xbf16>, vector<512x1024xbf16>, vector<256x512xf32> -> vector<256x512xf32>
      %logistic3A = arith.negf %dot_general3A_32 : vector<256x512xf32>
      %logistic3A_38 = math.exp %logistic3A : vector<256x512xf32>
      %logistic3A_39 = arith.constant 1.000000e+00 : f32
      %logistic3A_40 = vector.broadcast %logistic3A_39 : f32 to vector<256x512xf32>
      %logistic3A_41 = arith.addf %logistic3A_40, %logistic3A_38 : vector<256x512xf32>
      %logistic3A_42 = arith.divf %logistic3A_40, %logistic3A_41 : vector<256x512xf32>
      %mul3A = arith.mulf %dot_general3A_32, %logistic3A_42 : vector<256x512xf32>
      %mul3A_43 = arith.mulf %mul3A, %dot_general3A_37 : vector<256x512xf32>
      %convert_element_type3A_44 = arith.truncf %mul3A_43 : vector<256x512xf32> to vector<256x512xbf16>
      %get3A_45 = arith.constant 0 : index
      %get3A_46 = arith.constant 0 : index
      %get3A_47 = vector.load %arg13[%get3A_45, %get3A_46] : memref<1024x512xbf16, #tpu.memory_space<vmem>>, vector<1024x512xbf16>
      %dot_general3A_48 = arith.constant dense<0.000000e+00> : vector<256x1024xf32>
      %dot_general3A_49 = tpu.matmul %convert_element_type3A_44, %get3A_47, %dot_general3A_48 {dimension_numbers = #tpu.dot_dimension_numbers<[1], [1], [0], [0], [0, 0, 1, 0], [], []>, transpose_lhs_hint = false} : vector<256x512xbf16>, vector<1024x512xbf16>, vector<256x1024xf32> -> vector<256x1024xf32>
      %slice3A = vector.extract_strided_slice %dot_general3A_49 {offsets = [0, 0], sizes = [256, 512], strides = [1, 1]} : vector<256x1024xf32> to vector<256x512xf32>
      %slice3A_50 = vector.extract_strided_slice %dot_general3A_49 {offsets = [0, 512], sizes = [256, 512], strides = [1, 1]} : vector<256x1024xf32> to vector<256x512xf32>
      %convert_element_type3A_51 = arith.truncf %slice3A : vector<256x512xf32> to vector<256x512xbf16>
      %convert_element_type3A_52 = arith.extf %convert_element_type3A_51 : vector<256x512xbf16> to vector<256x512xf32>
      %bitcast_convert_type3A_53 = tpu.bitcast %convert_element_type3A_52 : vector<256x512xf32> -> vector<256x512xi32>
      %convert_element_type3A_54 = arith.truncf %slice3A_50 : vector<256x512xf32> to vector<256x512xbf16>
      %convert_element_type3A_55 = arith.extf %convert_element_type3A_54 : vector<256x512xbf16> to vector<256x512xf32>
      %bitcast_convert_type3A_56 = tpu.bitcast %convert_element_type3A_55 : vector<256x512xf32> -> vector<256x512xi32>
      %shift_right_logical3A = arith.constant 16 : i32
      %shift_right_logical3A_57 = vector.broadcast %shift_right_logical3A : i32 to vector<256x512xi32>
      %shift_right_logical3A_58 = arith.shrui %bitcast_convert_type3A_56, %shift_right_logical3A_57 : vector<256x512xi32>
      %or3A_59 = arith.ori %bitcast_convert_type3A_53, %shift_right_logical3A_58 : vector<256x512xi32>
      %bitcast_convert_type3A_60 = tpu.bitcast %or3A_59 : vector<256x512xi32> -> vector<256x512xf32>
      %swap3A = arith.constant 0 : index
      %swap3A_61 = arith.constant 0 : index
      %swap3A_62 = vector.load %arg7[%swap3A, %swap3A_61] : memref<256x512xf32, #tpu.memory_space<vmem>>, vector<256x512xf32>
      tpu.vector_store %arg7[%swap3A, %swap3A_61], %bitcast_convert_type3A_60 {strides = array<i32>} : memref<256x512xf32, #tpu.memory_space<vmem>>, vector<256x512xf32>,
    } else {
    }
    return
  }
  func.func @transform_0(%arg0: i32, %arg1: memref<24xi32, #tpu.memory_space<smem>>, %arg2: memref<24xi32, #tpu.memory_space<smem>>) -> (i32, i32) {
    %c0_i32 = arith.constant 0 : i32
    %c0_i32_0 = arith.constant 0 : i32
    return %arg0, %c0_i32 : i32, i32
  }
  func.func @transform_4(%arg0: i32, %arg1: memref<24xi32, #tpu.memory_space<smem>>, %arg2: memref<24xi32, #tpu.memory_space<smem>>) -> (i32, i32) {
    %c0_i32 = arith.constant 0 : i32
    %c0_i32_0 = arith.constant 0 : i32
    return %arg0, %c0_i32 : i32, i32
  }
}

module attributes {stable_mosaic.version = 14 : i64} {
  func.func @_final_body(%arg0: i32, %arg1: memref<512x512xf32, #tpu.memory_space<vmem>>, %arg2: memref<512x512xf32, #tpu.memory_space<vmem>>, %arg3: memref<512x512xf32, #tpu.memory_space<vmem>>, %arg4: memref<512x2xf32, #tpu.memory_space<vmem>>, %arg5: memref<512x1024xf32, #tpu.memory_space<vmem>>) attributes {dimension_semantics = [#tpu.dimension_semantics<arbitrary>], iteration_bounds = array<i64: 4>, scalar_prefetch = 0 : i64, scratch_operands = 0 : i64, tpu.core_type = #tpu.core_type<tc>, window_params = [{transform_indices = @transform_0, window_bounds = array<i64: 512, 512>}, {transform_indices = @transform_1, window_bounds = array<i64: 512, 512>}, {transform_indices = @transform_2, window_bounds = array<i64: 512, 512>}, {transform_indices = @transform_3, window_bounds = array<i64: 512, 2>}, {transform_indices = @transform_4, window_bounds = array<i64: 512, 1024>}]} {
    %get3A = arith.constant 0 : index
    %get3A_0 = arith.constant 0 : index
    %get3A_1 = vector.load %arg4[%get3A, %get3A_0] : memref<512x2xf32, #tpu.memory_space<vmem>>, vector<512x2xf32>
    %slice3A = vector.extract_strided_slice %get3A_1 {offsets = [0, 0], sizes = [512, 1], strides = [1, 1]} : vector<512x2xf32> to vector<512x1xf32>
    %slice3A_2 = vector.extract_strided_slice %get3A_1 {offsets = [0, 1], sizes = [512, 1], strides = [1, 1]} : vector<512x2xf32> to vector<512x1xf32>
    %get3A_3 = arith.constant 0 : index
    %get3A_4 = arith.constant 0 : index
    %get3A_5 = vector.load %arg2[%get3A_3, %get3A_4] : memref<512x512xf32, #tpu.memory_space<vmem>>, vector<512x512xf32>
    %bitcast_convert_type3A = tpu.bitcast %get3A_5 : vector<512x512xf32> -> vector<512x512xi32>
    %and3A = arith.constant -65536 : i32
    %and3A_6 = vector.broadcast %and3A : i32 to vector<512x512xi32>
    %and3A_7 = arith.andi %bitcast_convert_type3A, %and3A_6 : vector<512x512xi32>
    %bitcast_convert_type3A_8 = tpu.bitcast %and3A_7 : vector<512x512xi32> -> vector<512x512xf32>
    %shift_left3A = arith.constant 16 : i32
    %shift_left3A_9 = vector.broadcast %shift_left3A : i32 to vector<512x512xi32>
    %shift_left3A_10 = arith.shli %bitcast_convert_type3A, %shift_left3A_9 : vector<512x512xi32>
    %bitcast_convert_type3A_11 = tpu.bitcast %shift_left3A_10 : vector<512x512xi32> -> vector<512x512xf32>
    %get3A_12 = arith.constant 0 : index
    %get3A_13 = arith.constant 0 : index
    %get3A_14 = vector.load %arg3[%get3A_12, %get3A_13] : memref<512x512xf32, #tpu.memory_space<vmem>>, vector<512x512xf32>
    %bitcast_convert_type3A_15 = tpu.bitcast %get3A_14 : vector<512x512xf32> -> vector<512x512xi32>
    %and3A_16 = arith.constant -65536 : i32
    %and3A_17 = vector.broadcast %and3A_16 : i32 to vector<512x512xi32>
    %and3A_18 = arith.andi %bitcast_convert_type3A_15, %and3A_17 : vector<512x512xi32>
    %bitcast_convert_type3A_19 = tpu.bitcast %and3A_18 : vector<512x512xi32> -> vector<512x512xf32>
    %shift_left3A_20 = arith.constant 16 : i32
    %shift_left3A_21 = vector.broadcast %shift_left3A_20 : i32 to vector<512x512xi32>
    %shift_left3A_22 = arith.shli %bitcast_convert_type3A_15, %shift_left3A_21 : vector<512x512xi32>
    %bitcast_convert_type3A_23 = tpu.bitcast %shift_left3A_22 : vector<512x512xi32> -> vector<512x512xf32>
    %get3A_24 = arith.constant 0 : index
    %get3A_25 = arith.constant 0 : index
    %get3A_26 = vector.load %arg1[%get3A_24, %get3A_25] : memref<512x512xf32, #tpu.memory_space<vmem>>, vector<512x512xf32>
    %bitcast_convert_type3A_27 = tpu.bitcast %get3A_26 : vector<512x512xf32> -> vector<512x512xi32>
    %and3A_28 = arith.constant -65536 : i32
    %and3A_29 = vector.broadcast %and3A_28 : i32 to vector<512x512xi32>
    %and3A_30 = arith.andi %bitcast_convert_type3A_27, %and3A_29 : vector<512x512xi32>
    %bitcast_convert_type3A_31 = tpu.bitcast %and3A_30 : vector<512x512xi32> -> vector<512x512xf32>
    %shift_left3A_32 = arith.constant 16 : i32
    %shift_left3A_33 = vector.broadcast %shift_left3A_32 : i32 to vector<512x512xi32>
    %shift_left3A_34 = arith.shli %bitcast_convert_type3A_27, %shift_left3A_33 : vector<512x512xi32>
    %bitcast_convert_type3A_35 = tpu.bitcast %shift_left3A_34 : vector<512x512xi32> -> vector<512x512xf32>
    %mul3A = vector.broadcast %slice3A : vector<512x1xf32> to vector<512x512xf32>
    %mul3A_36 = arith.mulf %mul3A, %bitcast_convert_type3A_8 : vector<512x512xf32>
    %add3A = arith.addf %bitcast_convert_type3A_31, %mul3A_36 : vector<512x512xf32>
    %mul3A_37 = vector.broadcast %slice3A_2 : vector<512x1xf32> to vector<512x512xf32>
    %mul3A_38 = arith.mulf %mul3A_37, %bitcast_convert_type3A_19 : vector<512x512xf32>
    %add3A_39 = arith.addf %add3A, %mul3A_38 : vector<512x512xf32>
    %swap3A = arith.constant 0 : index
    %swap3A_40 = arith.constant 0 : index
    %swap3A_41 = vector.load %arg5[%swap3A, %swap3A_40] : memref<512x1024xf32, #tpu.memory_space<vmem>>, vector<512x512xf32>
    tpu.vector_store %arg5[%swap3A, %swap3A_40], %add3A_39 {strides = array<i32>} : memref<512x1024xf32, #tpu.memory_space<vmem>>, vector<512x512xf32>,
    %mul3A_42 = vector.broadcast %slice3A : vector<512x1xf32> to vector<512x512xf32>
    %mul3A_43 = arith.mulf %mul3A_42, %bitcast_convert_type3A_11 : vector<512x512xf32>
    %add3A_44 = arith.addf %bitcast_convert_type3A_35, %mul3A_43 : vector<512x512xf32>
    %mul3A_45 = vector.broadcast %slice3A_2 : vector<512x1xf32> to vector<512x512xf32>
    %mul3A_46 = arith.mulf %mul3A_45, %bitcast_convert_type3A_23 : vector<512x512xf32>
    %add3A_47 = arith.addf %add3A_44, %mul3A_46 : vector<512x512xf32>
    %swap3A_48 = arith.constant 0 : index
    %swap3A_49 = arith.constant 512 : index
    %swap3A_50 = vector.load %arg5[%swap3A_48, %swap3A_49] : memref<512x1024xf32, #tpu.memory_space<vmem>>, vector<512x512xf32>
    tpu.vector_store %arg5[%swap3A_48, %swap3A_49], %add3A_47 {strides = array<i32>} : memref<512x1024xf32, #tpu.memory_space<vmem>>, vector<512x512xf32>,
    return
  }
  func.func @transform_0(%arg0: i32) -> (i32, i32) {
    %c0_i32 = arith.constant 0 : i32
    %c0_i32_0 = arith.constant 0 : i32
    return %arg0, %c0_i32 : i32, i32
  }
  func.func @transform_1(%arg0: i32) -> (i32, i32) {
    %c0_i32 = arith.constant 0 : i32
    %c0_i32_0 = arith.constant 0 : i32
    return %arg0, %c0_i32 : i32, i32
  }
  func.func @transform_2(%arg0: i32) -> (i32, i32) {
    %add3A = arith.constant 4 : i32
    %add3A_0 = arith.addi %arg0, %add3A : i32
    %c0_i32 = arith.constant 0 : i32
    %c0_i32_1 = arith.constant 0 : i32
    return %add3A_0, %c0_i32 : i32, i32
  }
  func.func @transform_3(%arg0: i32) -> (i32, i32) {
    %c0_i32 = arith.constant 0 : i32
    %c0_i32_0 = arith.constant 0 : i32
    return %arg0, %c0_i32 : i32, i32
  }
  func.func @transform_4(%arg0: i32) -> (i32, i32) {
    %c0_i32 = arith.constant 0 : i32
    %c0_i32_0 = arith.constant 0 : i32
    return %arg0, %c0_i32 : i32, i32
  }
}

module attributes {stable_mosaic.version = 14 : i64} {
  func.func @_router_body(%arg0: memref<2048x1024xf32, #tpu.memory_space<vmem>>, %arg1: memref<8x1024xf32, #tpu.memory_space<vmem>>, %arg2: memref<8x1xf32, #tpu.memory_space<vmem>>, %arg3: memref<2048x2xf32, #tpu.memory_space<vmem>>, %arg4: memref<1x4096xi32, #tpu.memory_space<vmem>>, %arg5: memref<1x24xi32, #tpu.memory_space<vmem>>, %arg6: memref<2048x512xf32, #tpu.memory_space<vmem>>, %arg7: memref<1x24xi32, #tpu.memory_space<vmem>>) attributes {dimension_semantics = [], scalar_prefetch = 0 : i64, scratch_operands = 0 : i64, tpu.core_type = #tpu.core_type<tc>} {
    %get3A = arith.constant 0 : index
    %get3A_0 = arith.constant 0 : index
    %get3A_1 = vector.load %arg0[%get3A, %get3A_0] : memref<2048x1024xf32, #tpu.memory_space<vmem>>, vector<2048x1024xf32>
    %slice3A = vector.extract_strided_slice %get3A_1 {offsets = [0, 0], sizes = [2048, 512], strides = [1, 1]} : vector<2048x1024xf32> to vector<2048x512xf32>
    %slice3A_2 = vector.extract_strided_slice %get3A_1 {offsets = [0, 512], sizes = [2048, 512], strides = [1, 1]} : vector<2048x1024xf32> to vector<2048x512xf32>
    %convert_element_type3A = arith.truncf %slice3A : vector<2048x512xf32> to vector<2048x512xbf16>
    %convert_element_type3A_3 = arith.extf %convert_element_type3A : vector<2048x512xbf16> to vector<2048x512xf32>
    %bitcast_convert_type3A = tpu.bitcast %convert_element_type3A_3 : vector<2048x512xf32> -> vector<2048x512xi32>
    %convert_element_type3A_4 = arith.truncf %slice3A_2 : vector<2048x512xf32> to vector<2048x512xbf16>
    %convert_element_type3A_5 = arith.extf %convert_element_type3A_4 : vector<2048x512xbf16> to vector<2048x512xf32>
    %bitcast_convert_type3A_6 = tpu.bitcast %convert_element_type3A_5 : vector<2048x512xf32> -> vector<2048x512xi32>
    %shift_right_logical3A = arith.constant 16 : i32
    %shift_right_logical3A_7 = vector.broadcast %shift_right_logical3A : i32 to vector<2048x512xi32>
    %shift_right_logical3A_8 = arith.shrui %bitcast_convert_type3A_6, %shift_right_logical3A_7 : vector<2048x512xi32>
    %or3A = arith.ori %bitcast_convert_type3A, %shift_right_logical3A_8 : vector<2048x512xi32>
    %bitcast_convert_type3A_9 = tpu.bitcast %or3A : vector<2048x512xi32> -> vector<2048x512xf32>
    %swap3A = arith.constant 0 : index
    %swap3A_10 = arith.constant 0 : index
    %swap3A_11 = vector.load %arg6[%swap3A, %swap3A_10] : memref<2048x512xf32, #tpu.memory_space<vmem>>, vector<2048x512xf32>
    tpu.vector_store %arg6[%swap3A, %swap3A_10], %bitcast_convert_type3A_9 {strides = array<i32>} : memref<2048x512xf32, #tpu.memory_space<vmem>>, vector<2048x512xf32>,
    %get3A_12 = arith.constant 0 : index
    %get3A_13 = arith.constant 0 : index
    %get3A_14 = vector.load %arg1[%get3A_12, %get3A_13] : memref<8x1024xf32, #tpu.memory_space<vmem>>, vector<8x1024xf32>
    %dot_general3A = arith.constant dense<0.000000e+00> : vector<8x2048xf32>
    %dot_general3A_15 = tpu.matmul %get3A_14, %get3A_1, %dot_general3A {dimension_numbers = #tpu.dot_dimension_numbers<[1], [1], [0], [0], [0, 0, 1, 0], [], []>, transpose_lhs_hint = false} : vector<8x1024xf32>, vector<2048x1024xf32>, vector<8x2048xf32> -> vector<8x2048xf32>
    %logistic3A = arith.negf %dot_general3A_15 : vector<8x2048xf32>
    %logistic3A_16 = math.exp %logistic3A : vector<8x2048xf32>
    %logistic3A_17 = arith.constant 1.000000e+00 : f32
    %logistic3A_18 = vector.broadcast %logistic3A_17 : f32 to vector<8x2048xf32>
    %logistic3A_19 = arith.addf %logistic3A_18, %logistic3A_16 : vector<8x2048xf32>
    %logistic3A_20 = arith.divf %logistic3A_18, %logistic3A_19 : vector<8x2048xf32>
    %get3A_21 = arith.constant 0 : index
    %get3A_22 = arith.constant 0 : index
    %get3A_23 = vector.load %arg2[%get3A_21, %get3A_22] : memref<8x1xf32, #tpu.memory_space<vmem>>, vector<8x1xf32>
    %add3A = vector.broadcast %get3A_23 : vector<8x1xf32> to vector<8x2048xf32>
    %add3A_24 = arith.addf %logistic3A_20, %add3A : vector<8x2048xf32>
    %iota3A = tpu.iota {dimensions = array<i32: 0>} : vector<8x2048xi32>
    %reduce_max3A = arith.constant dense<0xFF800000> : vector<2048xf32>
    %reduce_max3A_25 = vector.multi_reduction <maximumf>, %add3A_24, %reduce_max3A [0] : vector<8x2048xf32> to vector<2048xf32>
    %broadcast_in_dim3A = vector.shape_cast %reduce_max3A_25 : vector<2048xf32> to vector<1x2048xf32>
    %eq3A = vector.broadcast %broadcast_in_dim3A : vector<1x2048xf32> to vector<8x2048xf32>
    %eq3A_26 = arith.cmpf oeq, %add3A_24, %eq3A : vector<8x2048xf32>
    %jit3A = arith.constant 8 : i32
    %broadcast_in_dim3A_27 = vector.broadcast %jit3A : i32 to vector<8x2048xi32>
    %select_n3A = arith.select %eq3A_26, %iota3A, %broadcast_in_dim3A_27 : vector<8x2048xi1>, vector<8x2048xi32>
    %reduce_min3A = arith.constant dense<2147483647> : vector<2048xi32>
    %reduce_min3A_28 = vector.multi_reduction <minsi>, %select_n3A, %reduce_min3A [0] : vector<8x2048xi32> to vector<2048xi32>
    %broadcast_in_dim3A_29 = vector.shape_cast %reduce_min3A_28 : vector<2048xi32> to vector<1x2048xi32>
    %eq3A_30 = vector.broadcast %broadcast_in_dim3A_29 : vector<1x2048xi32> to vector<8x2048xi32>
    %eq3A_31 = arith.cmpi eq, %iota3A, %eq3A_30 : vector<8x2048xi32>
    %jit3A_32 = arith.constant 0xFF800000 : f32
    %broadcast_in_dim3A_33 = vector.broadcast %jit3A_32 : f32 to vector<8x2048xf32>
    %select_n3A_34 = arith.select %eq3A_31, %broadcast_in_dim3A_33, %add3A_24 : vector<8x2048xi1>, vector<8x2048xf32>
    %reduce_max3A_35 = arith.constant dense<0xFF800000> : vector<2048xf32>
    %reduce_max3A_36 = vector.multi_reduction <maximumf>, %select_n3A_34, %reduce_max3A_35 [0] : vector<8x2048xf32> to vector<2048xf32>
    %broadcast_in_dim3A_37 = vector.shape_cast %reduce_max3A_36 : vector<2048xf32> to vector<1x2048xf32>
    %eq3A_38 = vector.broadcast %broadcast_in_dim3A_37 : vector<1x2048xf32> to vector<8x2048xf32>
    %eq3A_39 = arith.cmpf oeq, %select_n3A_34, %eq3A_38 : vector<8x2048xf32>
    %jit3A_40 = arith.constant 8 : i32
    %broadcast_in_dim3A_41 = vector.broadcast %jit3A_40 : i32 to vector<8x2048xi32>
    %select_n3A_42 = arith.select %eq3A_39, %iota3A, %broadcast_in_dim3A_41 : vector<8x2048xi1>, vector<8x2048xi32>
    %reduce_min3A_43 = arith.constant dense<2147483647> : vector<2048xi32>
    %reduce_min3A_44 = vector.multi_reduction <minsi>, %select_n3A_42, %reduce_min3A_43 [0] : vector<8x2048xi32> to vector<2048xi32>
    %broadcast_in_dim3A_45 = vector.shape_cast %reduce_min3A_44 : vector<2048xi32> to vector<1x2048xi32>
    %eq3A_46 = vector.broadcast %broadcast_in_dim3A_45 : vector<1x2048xi32> to vector<8x2048xi32>
    %eq3A_47 = arith.cmpi eq, %iota3A, %eq3A_46 : vector<8x2048xi32>
    %jit3A_48 = arith.constant 0.000000e+00 : f32
    %broadcast_in_dim3A_49 = vector.broadcast %jit3A_48 : f32 to vector<8x2048xf32>
    %select_n3A_50 = arith.select %eq3A_31, %logistic3A_20, %broadcast_in_dim3A_49 : vector<8x2048xi1>, vector<8x2048xf32>
    %reduce_sum3A = arith.constant dense<0.000000e+00> : vector<2048xf32>
    %reduce_sum3A_51 = vector.multi_reduction <add>, %select_n3A_50, %reduce_sum3A [0] : vector<8x2048xf32> to vector<2048xf32>
    %broadcast_in_dim3A_52 = vector.shape_cast %reduce_sum3A_51 : vector<2048xf32> to vector<1x2048xf32>
    %jit3A_53 = arith.constant 0.000000e+00 : f32
    %broadcast_in_dim3A_54 = vector.broadcast %jit3A_53 : f32 to vector<8x2048xf32>
    %select_n3A_55 = arith.select %eq3A_47, %logistic3A_20, %broadcast_in_dim3A_54 : vector<8x2048xi1>, vector<8x2048xf32>
    %reduce_sum3A_56 = arith.constant dense<0.000000e+00> : vector<2048xf32>
    %reduce_sum3A_57 = vector.multi_reduction <add>, %select_n3A_55, %reduce_sum3A_56 [0] : vector<8x2048xf32> to vector<2048xf32>
    %broadcast_in_dim3A_58 = vector.shape_cast %reduce_sum3A_57 : vector<2048xf32> to vector<1x2048xf32>
    %add3A_59 = arith.addf %broadcast_in_dim3A_52, %broadcast_in_dim3A_58 : vector<1x2048xf32>
    %add3A_60 = arith.constant 9.99999968E-21 : f32
    %add3A_61 = vector.broadcast %add3A_60 : f32 to vector<1x2048xf32>
    %add3A_62 = arith.addf %add3A_59, %add3A_61 : vector<1x2048xf32>
    %div3A = arith.divf %broadcast_in_dim3A_52, %add3A_62 : vector<1x2048xf32>
    %div3A_63 = arith.divf %broadcast_in_dim3A_58, %add3A_62 : vector<1x2048xf32>
    %concatenate3A = tpu.concatenate %div3A, %div3A_63 in 0 : vector<1x2048xf32>, vector<1x2048xf32> -> vector<2x2048xf32>
    %transpose3A = tpu.transpose %concatenate3A, [1, 0] : vector<2x2048xf32> -> vector<2048x2xf32>
    %swap3A_64 = arith.constant 0 : index
    %swap3A_65 = arith.constant 0 : index
    %swap3A_66 = vector.load %arg3[%swap3A_64, %swap3A_65] : memref<2048x2xf32, #tpu.memory_space<vmem>>, vector<2048x2xf32>
    tpu.vector_store %arg3[%swap3A_64, %swap3A_65], %transpose3A {strides = array<i32>} : memref<2048x2xf32, #tpu.memory_space<vmem>>, vector<2048x2xf32>,
    %concatenate3A_67 = tpu.concatenate %eq3A_31, %eq3A_47 in 1 : vector<8x2048xi1>, vector<8x2048xi1> -> vector<8x4096xi1>
    %convert_element_type3A_68 = arith.extui %concatenate3A_67 : vector<8x4096xi1> to vector<8x4096xi32>
    %convert_element_type3A_69 = arith.sitofp %convert_element_type3A_68 : vector<8x4096xi32> to vector<8x4096xf32>
    %convert_element_type3A_70 = arith.truncf %convert_element_type3A_69 : vector<8x4096xf32> to vector<8x4096xbf16>
    %iota3A_71 = tpu.iota {dimensions = array<i32: 0>} : vector<512x512xi32>
    %iota3A_72 = tpu.iota {dimensions = array<i32: 1>} : vector<512x512xi32>
    %lt3A = arith.cmpi slt, %iota3A_71, %iota3A_72 : vector<512x512xi32>
    %convert_element_type3A_73 = arith.extui %lt3A : vector<512x512xi1> to vector<512x512xi32>
    %convert_element_type3A_74 = arith.sitofp %convert_element_type3A_73 : vector<512x512xi32> to vector<512x512xf32>
    %convert_element_type3A_75 = arith.truncf %convert_element_type3A_74 : vector<512x512xf32> to vector<512x512xbf16>
    %broadcast_in_dim3A_76 = arith.constant 0.000000e+00 : f32
    %broadcast_in_dim3A_77 = vector.broadcast %broadcast_in_dim3A_76 : f32 to vector<8x1xf32>
    %slice3A_78 = vector.extract_strided_slice %convert_element_type3A_70 {offsets = [0, 0], sizes = [8, 512], strides = [1, 1]} : vector<8x4096xbf16> to vector<8x512xbf16>
    %dot_general3A_79 = arith.constant dense<0.000000e+00> : vector<8x512xf32>
    %dot_general3A_80 = tpu.matmul %slice3A_78, %convert_element_type3A_75, %dot_general3A_79 {dimension_numbers = #tpu.dot_dimension_numbers<[1], [0], [0], [1], [0, 0, 1, 1], [], []>, transpose_lhs_hint = false} : vector<8x512xbf16>, vector<512x512xbf16>, vector<8x512xf32> -> vector<8x512xf32>
    %add3A_81 = vector.broadcast %broadcast_in_dim3A_77 : vector<8x1xf32> to vector<8x512xf32>
    %add3A_82 = arith.addf %dot_general3A_80, %add3A_81 : vector<8x512xf32>
    %slice3A_83 = vector.extract_strided_slice %add3A_82 {offsets = [0, 511], sizes = [8, 1], strides = [1, 1]} : vector<8x512xf32> to vector<8x1xf32>
    %slice3A_84 = vector.extract_strided_slice %slice3A_78 {offsets = [0, 511], sizes = [8, 1], strides = [1, 1]} : vector<8x512xbf16> to vector<8x1xbf16>
    %convert_element_type3A_85 = arith.extf %slice3A_84 : vector<8x1xbf16> to vector<8x1xf32>
    %add3A_86 = arith.addf %slice3A_83, %convert_element_type3A_85 : vector<8x1xf32>
    %slice3A_87 = vector.extract_strided_slice %convert_element_type3A_70 {offsets = [0, 512], sizes = [8, 512], strides = [1, 1]} : vector<8x4096xbf16> to vector<8x512xbf16>
    %dot_general3A_88 = arith.constant dense<0.000000e+00> : vector<8x512xf32>
    %dot_general3A_89 = tpu.matmul %slice3A_87, %convert_element_type3A_75, %dot_general3A_88 {dimension_numbers = #tpu.dot_dimension_numbers<[1], [0], [0], [1], [0, 0, 1, 1], [], []>, transpose_lhs_hint = false} : vector<8x512xbf16>, vector<512x512xbf16>, vector<8x512xf32> -> vector<8x512xf32>
    %add3A_90 = vector.broadcast %add3A_86 : vector<8x1xf32> to vector<8x512xf32>
    %add3A_91 = arith.addf %dot_general3A_89, %add3A_90 : vector<8x512xf32>
    %slice3A_92 = vector.extract_strided_slice %add3A_91 {offsets = [0, 511], sizes = [8, 1], strides = [1, 1]} : vector<8x512xf32> to vector<8x1xf32>
    %slice3A_93 = vector.extract_strided_slice %slice3A_87 {offsets = [0, 511], sizes = [8, 1], strides = [1, 1]} : vector<8x512xbf16> to vector<8x1xbf16>
    %convert_element_type3A_94 = arith.extf %slice3A_93 : vector<8x1xbf16> to vector<8x1xf32>
    %add3A_95 = arith.addf %slice3A_92, %convert_element_type3A_94 : vector<8x1xf32>
    %slice3A_96 = vector.extract_strided_slice %convert_element_type3A_70 {offsets = [0, 1024], sizes = [8, 512], strides = [1, 1]} : vector<8x4096xbf16> to vector<8x512xbf16>
    %dot_general3A_97 = arith.constant dense<0.000000e+00> : vector<8x512xf32>
    %dot_general3A_98 = tpu.matmul %slice3A_96, %convert_element_type3A_75, %dot_general3A_97 {dimension_numbers = #tpu.dot_dimension_numbers<[1], [0], [0], [1], [0, 0, 1, 1], [], []>, transpose_lhs_hint = false} : vector<8x512xbf16>, vector<512x512xbf16>, vector<8x512xf32> -> vector<8x512xf32>
    %add3A_99 = vector.broadcast %add3A_95 : vector<8x1xf32> to vector<8x512xf32>
    %add3A_100 = arith.addf %dot_general3A_98, %add3A_99 : vector<8x512xf32>
    %slice3A_101 = vector.extract_strided_slice %add3A_100 {offsets = [0, 511], sizes = [8, 1], strides = [1, 1]} : vector<8x512xf32> to vector<8x1xf32>
    %slice3A_102 = vector.extract_strided_slice %slice3A_96 {offsets = [0, 511], sizes = [8, 1], strides = [1, 1]} : vector<8x512xbf16> to vector<8x1xbf16>
    %convert_element_type3A_103 = arith.extf %slice3A_102 : vector<8x1xbf16> to vector<8x1xf32>
    %add3A_104 = arith.addf %slice3A_101, %convert_element_type3A_103 : vector<8x1xf32>
    %slice3A_105 = vector.extract_strided_slice %convert_element_type3A_70 {offsets = [0, 1536], sizes = [8, 512], strides = [1, 1]} : vector<8x4096xbf16> to vector<8x512xbf16>
    %dot_general3A_106 = arith.constant dense<0.000000e+00> : vector<8x512xf32>
    %dot_general3A_107 = tpu.matmul %slice3A_105, %convert_element_type3A_75, %dot_general3A_106 {dimension_numbers = #tpu.dot_dimension_numbers<[1], [0], [0], [1], [0, 0, 1, 1], [], []>, transpose_lhs_hint = false} : vector<8x512xbf16>, vector<512x512xbf16>, vector<8x512xf32> -> vector<8x512xf32>
    %add3A_108 = vector.broadcast %add3A_104 : vector<8x1xf32> to vector<8x512xf32>
    %add3A_109 = arith.addf %dot_general3A_107, %add3A_108 : vector<8x512xf32>
    %slice3A_110 = vector.extract_strided_slice %add3A_109 {offsets = [0, 511], sizes = [8, 1], strides = [1, 1]} : vector<8x512xf32> to vector<8x1xf32>
    %slice3A_111 = vector.extract_strided_slice %slice3A_105 {offsets = [0, 511], sizes = [8, 1], strides = [1, 1]} : vector<8x512xbf16> to vector<8x1xbf16>
    %convert_element_type3A_112 = arith.extf %slice3A_111 : vector<8x1xbf16> to vector<8x1xf32>
    %add3A_113 = arith.addf %slice3A_110, %convert_element_type3A_112 : vector<8x1xf32>
    %slice3A_114 = vector.extract_strided_slice %convert_element_type3A_70 {offsets = [0, 2048], sizes = [8, 512], strides = [1, 1]} : vector<8x4096xbf16> to vector<8x512xbf16>
    %dot_general3A_115 = arith.constant dense<0.000000e+00> : vector<8x512xf32>
    %dot_general3A_116 = tpu.matmul %slice3A_114, %convert_element_type3A_75, %dot_general3A_115 {dimension_numbers = #tpu.dot_dimension_numbers<[1], [0], [0], [1], [0, 0, 1, 1], [], []>, transpose_lhs_hint = false} : vector<8x512xbf16>, vector<512x512xbf16>, vector<8x512xf32> -> vector<8x512xf32>
    %add3A_117 = vector.broadcast %add3A_113 : vector<8x1xf32> to vector<8x512xf32>
    %add3A_118 = arith.addf %dot_general3A_116, %add3A_117 : vector<8x512xf32>
    %slice3A_119 = vector.extract_strided_slice %add3A_118 {offsets = [0, 511], sizes = [8, 1], strides = [1, 1]} : vector<8x512xf32> to vector<8x1xf32>
    %slice3A_120 = vector.extract_strided_slice %slice3A_114 {offsets = [0, 511], sizes = [8, 1], strides = [1, 1]} : vector<8x512xbf16> to vector<8x1xbf16>
    %convert_element_type3A_121 = arith.extf %slice3A_120 : vector<8x1xbf16> to vector<8x1xf32>
    %add3A_122 = arith.addf %slice3A_119, %convert_element_type3A_121 : vector<8x1xf32>
    %slice3A_123 = vector.extract_strided_slice %convert_element_type3A_70 {offsets = [0, 2560], sizes = [8, 512], strides = [1, 1]} : vector<8x4096xbf16> to vector<8x512xbf16>
    %dot_general3A_124 = arith.constant dense<0.000000e+00> : vector<8x512xf32>
    %dot_general3A_125 = tpu.matmul %slice3A_123, %convert_element_type3A_75, %dot_general3A_124 {dimension_numbers = #tpu.dot_dimension_numbers<[1], [0], [0], [1], [0, 0, 1, 1], [], []>, transpose_lhs_hint = false} : vector<8x512xbf16>, vector<512x512xbf16>, vector<8x512xf32> -> vector<8x512xf32>
    %add3A_126 = vector.broadcast %add3A_122 : vector<8x1xf32> to vector<8x512xf32>
    %add3A_127 = arith.addf %dot_general3A_125, %add3A_126 : vector<8x512xf32>
    %slice3A_128 = vector.extract_strided_slice %add3A_127 {offsets = [0, 511], sizes = [8, 1], strides = [1, 1]} : vector<8x512xf32> to vector<8x1xf32>
    %slice3A_129 = vector.extract_strided_slice %slice3A_123 {offsets = [0, 511], sizes = [8, 1], strides = [1, 1]} : vector<8x512xbf16> to vector<8x1xbf16>
    %convert_element_type3A_130 = arith.extf %slice3A_129 : vector<8x1xbf16> to vector<8x1xf32>
    %add3A_131 = arith.addf %slice3A_128, %convert_element_type3A_130 : vector<8x1xf32>
    %slice3A_132 = vector.extract_strided_slice %convert_element_type3A_70 {offsets = [0, 3072], sizes = [8, 512], strides = [1, 1]} : vector<8x4096xbf16> to vector<8x512xbf16>
    %dot_general3A_133 = arith.constant dense<0.000000e+00> : vector<8x512xf32>
    %dot_general3A_134 = tpu.matmul %slice3A_132, %convert_element_type3A_75, %dot_general3A_133 {dimension_numbers = #tpu.dot_dimension_numbers<[1], [0], [0], [1], [0, 0, 1, 1], [], []>, transpose_lhs_hint = false} : vector<8x512xbf16>, vector<512x512xbf16>, vector<8x512xf32> -> vector<8x512xf32>
    %add3A_135 = vector.broadcast %add3A_131 : vector<8x1xf32> to vector<8x512xf32>
    %add3A_136 = arith.addf %dot_general3A_134, %add3A_135 : vector<8x512xf32>
    %slice3A_137 = vector.extract_strided_slice %add3A_136 {offsets = [0, 511], sizes = [8, 1], strides = [1, 1]} : vector<8x512xf32> to vector<8x1xf32>
    %slice3A_138 = vector.extract_strided_slice %slice3A_132 {offsets = [0, 511], sizes = [8, 1], strides = [1, 1]} : vector<8x512xbf16> to vector<8x1xbf16>
    %convert_element_type3A_139 = arith.extf %slice3A_138 : vector<8x1xbf16> to vector<8x1xf32>
    %add3A_140 = arith.addf %slice3A_137, %convert_element_type3A_139 : vector<8x1xf32>
    %slice3A_141 = vector.extract_strided_slice %convert_element_type3A_70 {offsets = [0, 3584], sizes = [8, 512], strides = [1, 1]} : vector<8x4096xbf16> to vector<8x512xbf16>
    %dot_general3A_142 = arith.constant dense<0.000000e+00> : vector<8x512xf32>
    %dot_general3A_143 = tpu.matmul %slice3A_141, %convert_element_type3A_75, %dot_general3A_142 {dimension_numbers = #tpu.dot_dimension_numbers<[1], [0], [0], [1], [0, 0, 1, 1], [], []>, transpose_lhs_hint = false} : vector<8x512xbf16>, vector<512x512xbf16>, vector<8x512xf32> -> vector<8x512xf32>
    %add3A_144 = vector.broadcast %add3A_140 : vector<8x1xf32> to vector<8x512xf32>
    %add3A_145 = arith.addf %dot_general3A_143, %add3A_144 : vector<8x512xf32>
    %slice3A_146 = vector.extract_strided_slice %add3A_145 {offsets = [0, 511], sizes = [8, 1], strides = [1, 1]} : vector<8x512xf32> to vector<8x1xf32>
    %slice3A_147 = vector.extract_strided_slice %slice3A_141 {offsets = [0, 511], sizes = [8, 1], strides = [1, 1]} : vector<8x512xbf16> to vector<8x1xbf16>
    %convert_element_type3A_148 = arith.extf %slice3A_147 : vector<8x1xbf16> to vector<8x1xf32>
    %add3A_149 = arith.addf %slice3A_146, %convert_element_type3A_148 : vector<8x1xf32>
    %concatenate3A_150 = tpu.concatenate %add3A_82, %add3A_91, %add3A_100, %add3A_109, %add3A_118, %add3A_127, %add3A_136, %add3A_145 in 1 : vector<8x512xf32>, vector<8x512xf32>, vector<8x512xf32>, vector<8x512xf32>, vector<8x512xf32>, vector<8x512xf32>, vector<8x512xf32>, vector<8x512xf32> -> vector<8x4096xf32>
    %add3A_151 = arith.constant 2.550000e+02 : f32
    %add3A_152 = vector.broadcast %add3A_151 : f32 to vector<8x1xf32>
    %add3A_153 = arith.addf %add3A_149, %add3A_152 : vector<8x1xf32>
    %div3A_154 = arith.constant 2.560000e+02 : f32
    %div3A_155 = vector.broadcast %div3A_154 : f32 to vector<8x1xf32>
    %div3A_156 = arith.divf %add3A_153, %div3A_155 : vector<8x1xf32>
    %floor3A = math.floor %div3A_156 : vector<8x1xf32>
    %mul3A = arith.constant 2.560000e+02 : f32
    %mul3A_157 = vector.broadcast %mul3A : f32 to vector<8x1xf32>
    %mul3A_158 = arith.mulf %floor3A, %mul3A_157 : vector<8x1xf32>
    %iota3A_159 = tpu.iota {dimensions = array<i32: 0>} : vector<8x8xi32>
    %iota3A_160 = tpu.iota {dimensions = array<i32: 1>} : vector<8x8xi32>
    %lt3A_161 = arith.cmpi slt, %iota3A_160, %iota3A_159 : vector<8x8xi32>
    %convert_element_type3A_162 = arith.extui %lt3A_161 : vector<8x8xi1> to vector<8x8xi32>
    %convert_element_type3A_163 = arith.sitofp %convert_element_type3A_162 : vector<8x8xi32> to vector<8x8xf32>
    %dot_general3A_164 = arith.constant dense<0.000000e+00> : vector<8x1xf32>
    %dot_general3A_165 = tpu.matmul %convert_element_type3A_163, %mul3A_158, %dot_general3A_164 {dimension_numbers = #tpu.dot_dimension_numbers<[1], [0], [0], [1], [0, 0, 1, 1], [], []>, transpose_lhs_hint = false} : vector<8x8xf32>, vector<8x1xf32>, vector<8x1xf32> -> vector<8x1xf32>
    %add3A_166 = vector.broadcast %dot_general3A_165 : vector<8x1xf32> to vector<8x4096xf32>
    %add3A_167 = arith.addf %concatenate3A_150, %add3A_166 : vector<8x4096xf32>
    %convert_element_type3A_168 = arith.extf %convert_element_type3A_70 : vector<8x4096xbf16> to vector<8x4096xf32>
    %mul3A_169 = arith.mulf %add3A_167, %convert_element_type3A_168 : vector<8x4096xf32>
    %reduce_sum3A_170 = arith.constant dense<0.000000e+00> : vector<4096xf32>
    %reduce_sum3A_171 = vector.multi_reduction <add>, %mul3A_169, %reduce_sum3A_170 [0] : vector<8x4096xf32> to vector<4096xf32>
    %broadcast_in_dim3A_172 = vector.shape_cast %reduce_sum3A_171 : vector<4096xf32> to vector<1x4096xf32>
    %convert_element_type3A_173 = arith.fptosi %broadcast_in_dim3A_172 : vector<1x4096xf32> to vector<1x4096xi32>
    %swap3A_174 = arith.constant 0 : index
    %swap3A_175 = arith.constant 0 : index
    %swap3A_176 = vector.load %arg4[%swap3A_174, %swap3A_175] : memref<1x4096xi32, #tpu.memory_space<vmem>>, vector<1x4096xi32>
    tpu.vector_store %arg4[%swap3A_174, %swap3A_175], %convert_element_type3A_173 {strides = array<i32>} : memref<1x4096xi32, #tpu.memory_space<vmem>>, vector<1x4096xi32>,
    %iota3A_177 = tpu.iota {dimensions = array<i32: 1>} : vector<8x24xi32>
    %mul3A_178 = arith.constant 256 : i32
    %mul3A_179 = vector.broadcast %mul3A_178 : i32 to vector<8x24xi32>
    %mul3A_180 = arith.muli %iota3A_177, %mul3A_179 : vector<8x24xi32>
    %convert_element_type3A_181 = arith.sitofp %mul3A_180 : vector<8x24xi32> to vector<8x24xf32>
    %ge3A = vector.broadcast %dot_general3A_165 : vector<8x1xf32> to vector<8x24xf32>
    %ge3A_182 = arith.cmpf oge, %convert_element_type3A_181, %ge3A : vector<8x24xf32>
    %add3A_183 = arith.addf %dot_general3A_165, %mul3A_158 : vector<8x1xf32>
    %lt3A_184 = vector.broadcast %add3A_183 : vector<8x1xf32> to vector<8x24xf32>
    %lt3A_185 = arith.cmpf olt, %convert_element_type3A_181, %lt3A_184 : vector<8x24xf32>
    %and3A = arith.andi %ge3A_182, %lt3A_185 : vector<8x24xi1>
    %iota3A_186 = tpu.iota {dimensions = array<i32: 0>} : vector<8x24xi32>
    %add3A_187 = arith.constant 1 : i32
    %add3A_188 = vector.broadcast %add3A_187 : i32 to vector<8x24xi32>
    %add3A_189 = arith.addi %iota3A_186, %add3A_188 : vector<8x24xi32>
    %jit3A_190 = arith.constant 0 : i32
    %broadcast_in_dim3A_191 = vector.broadcast %jit3A_190 : i32 to vector<8x24xi32>
    %select_n3A_192 = arith.select %and3A, %add3A_189, %broadcast_in_dim3A_191 : vector<8x24xi1>, vector<8x24xi32>
    %reduce_sum3A_193 = arith.constant dense<0> : vector<24xi32>
    %reduce_sum3A_194 = vector.multi_reduction <add>, %select_n3A_192, %reduce_sum3A_193 [0] : vector<8x24xi32> to vector<24xi32>
    %broadcast_in_dim3A_195 = vector.shape_cast %reduce_sum3A_194 : vector<24xi32> to vector<1x24xi32>
    %sub3A = arith.constant 1 : i32
    %sub3A_196 = vector.broadcast %sub3A : i32 to vector<1x24xi32>
    %sub3A_197 = arith.subi %broadcast_in_dim3A_195, %sub3A_196 : vector<1x24xi32>
    %swap3A_198 = arith.constant 0 : index
    %swap3A_199 = arith.constant 0 : index
    %swap3A_200 = vector.load %arg5[%swap3A_198, %swap3A_199] : memref<1x24xi32, #tpu.memory_space<vmem>>, vector<1x24xi32>
    tpu.vector_store %arg5[%swap3A_198, %swap3A_199], %sub3A_197 {strides = array<i32>} : memref<1x24xi32, #tpu.memory_space<vmem>>, vector<1x24xi32>,
    %iota3A_201 = tpu.iota {dimensions = array<i32: 0>} : vector<8x24xi32>
    %gt3A = vector.broadcast %dot_general3A_165 : vector<8x1xf32> to vector<8x24xf32>
    %gt3A_202 = arith.cmpf ogt, %gt3A, %convert_element_type3A_181 : vector<8x24xf32>
    %gt3A_203 = arith.constant 0.000000e+00 : f32
    %gt3A_204 = vector.broadcast %gt3A_203 : f32 to vector<8x1xf32>
    %gt3A_205 = arith.cmpf ogt, %mul3A_158, %gt3A_204 : vector<8x1xf32>
    %and3A_206 = vector.broadcast %gt3A_205 : vector<8x1xi1> to vector<8x24xi1>
    %and3A_207 = arith.andi %gt3A_202, %and3A_206 : vector<8x24xi1>
    %jit3A_208 = arith.constant 8 : i32
    %broadcast_in_dim3A_209 = vector.broadcast %jit3A_208 : i32 to vector<8x24xi32>
    %select_n3A_210 = arith.select %and3A_207, %iota3A_201, %broadcast_in_dim3A_209 : vector<8x24xi1>, vector<8x24xi32>
    %reduce_min3A_211 = arith.constant dense<2147483647> : vector<24xi32>
    %reduce_min3A_212 = vector.multi_reduction <minsi>, %select_n3A_210, %reduce_min3A_211 [0] : vector<8x24xi32> to vector<24xi32>
    %broadcast_in_dim3A_213 = vector.shape_cast %reduce_min3A_212 : vector<24xi32> to vector<1x24xi32>
    %eq3A_214 = arith.constant 8 : i32
    %eq3A_215 = vector.broadcast %eq3A_214 : i32 to vector<1x24xi32>
    %eq3A_216 = arith.cmpi eq, %broadcast_in_dim3A_213, %eq3A_215 : vector<1x24xi32>
    %jit3A_217 = arith.constant -1 : i32
    %broadcast_in_dim3A_218 = vector.broadcast %jit3A_217 : i32 to vector<1x24xi32>
    %select_n3A_219 = arith.select %eq3A_216, %broadcast_in_dim3A_218, %broadcast_in_dim3A_213 : vector<1x24xi1>, vector<1x24xi32>
    %swap3A_220 = arith.constant 0 : index
    %swap3A_221 = arith.constant 0 : index
    %swap3A_222 = vector.load %arg7[%swap3A_220, %swap3A_221] : memref<1x24xi32, #tpu.memory_space<vmem>>, vector<1x24xi32>
    tpu.vector_store %arg7[%swap3A_220, %swap3A_221], %select_n3A_219 {strides = array<i32>} : memref<1x24xi32, #tpu.memory_space<vmem>>, vector<1x24xi32>,
    return
  }
}

</mosaic_0001>

<sc_bundles>
// kernel: kernel.11.cloned.1.call-start
scs
__scs_entry_jumppad:
0x0: {  	(pc) =	sbr.rel $0x88, $3  }
0x1: {  	(tag) =	ssettag $0x0;
	lr =	simm.s32 $0x1  }
0x2: {  	[smem:$0x3F98] =	sst lr;
	_ =	strace $0xD0000000  }
0x3: {  	_ = 	snop  }
0x4: {  	_ = 	snop  }
0x5: {  	_ = 	snop  }
0x6: {  	_ = 	snop  }
0x7: {  	_ = 	snop  }
__scs_overlays_trampoline_lowered:
0x8: {  	[smem:$0x3FA7] =	sst s0  }
0x9: {  	[smem:$0x3FA8] =	sst s1  }
0xa: {  	[smem:$0x3FA9] =	sst s2  }
0xb: {  	[smem:$0x3FAA] =	sst s3  }
0xc: {  	[smem:$0x3FAB] =	sst s4  }
0xd: {  	[smem:$0x3FAC] =	sst s5  }
0xe: {  	[smem:$0x3FAD] =	sst s6  }
0xf: {  	[smem:$0x3FAE] =	sst s7  }
0x10: {  	[smem:$0x3FAF] =	sst s8  }
0x11: {  	[smem:$0x3FB0] =	sst s9;
	s0 =	simm.s32 @!p0 $0x0  }
0x12: {  	s1 =	sld [smem:$0x3F96];
	s0 =	simm.s32 @p0 $0x1  }
0x13: {  	[smem:$0x3FB1] =	sst s0;
	s0 =	simm.s32 @!p1 $0x0  }
0x14: {  	s2 =	sld [smem:$0x3F95];
	s0 =	simm.s32 @p1 $0x1  }
0x15: {  	[smem:$0x3FB2] =	sst s0;
	s0 =	simm.s32 @!p2 $0x0  }
0x16: {  	s3 =	sld [smem:$0x3FDB];
	s0 =	simm.s32 @p2 $0x1  }
0x17: {  	s4 =	simm.s32 $0x1BF5;
	[smem:$0x3FB4] =	sst s0  }
0x18: {  	s0 =	sld [smem:$0x3F97];
	_ =	swait.ge [sflag:s4], $0x0  }
0x19: {  	s7 =	sld [smem:$0x3F98]  }
0x1a: {  	s8 =	sadd.s32 $0xFFFFE003, lr  }
0x1b: {  	s9 =	sadd.s32 $0xFFFFFEF7, lr;
	s5 =	simm.s32 $0xFFFFFFFF;
	p2 =	slt.u32 s8, $0xFFFFF086  }
0x1c: {  	p1 =	slt.u32 s9, $0xF7A;
	s5 =	simm.s32 @!p2 $0x0  }
0x1d: {  	s5 =	simm.s32 @p1 $0x1;
	p0 =	seq.s32 s7, s2  }
0x1e: {  	s7 =	smul.u32 @!p0 $0xF7A, s2;
	p2 =	seq.s32 @!p0 s5, $0x0  }
0x1f: {  	s9 =	smul.u32 $0xF7A, s1;
	s8 =	simm.s32 @!p0 $0x1BF5;
	p2 =	por !p2, p0  }
0x20: {  	[sflag:s8] =	ssyncset.s32 @!p0 $0xFFFFF086;
	s6 =	sadd.s32 @!p0 s3, s7;
	s7 =	simm.s32 @!p0 $0x108  }
0x21: {  	s3 =	sadd.s32 s3, s9;
	s6 =	sadd.s32 @!p0 $0x88, s6;
	s7 =	simm.s32 @p2 $0x1082  }
0x22: {  	[simem:s7], [sflag:s8] =	dma.local @!p0 [hbm:s6], $0xF7A  }
0x23: {  	s9 =	sor.u32 $0xD0000000, s2;
	s6 =	simm.s32 $0x108;
	_ =	swait.ge @!p0 [sflag:s8], $0x0  }
0x24: {  	s3 =	sadd.s32 $0x88, s3;
	s6 =	simm.s32 @!p1 $0x1082;
	[sflag:s4] =	ssyncset.s32 $0xFFFFF086  }
0x25: {  	[simem:s6], [sflag:s4] =	dma.local [hbm:s3], $0xF7A  }
0x26: {  	[smem:$0x3F98] =	sst s1;
	(tag) =	ssettag s2;
	_ =	strace s9  }
0x27: {  	s1 =	sld [smem:$0x3FA8]  }
0x28: {  	s2 =	sld [smem:$0x3FA9]  }
0x29: {  	s4 =	sld [smem:$0x3FAB]  }
0x2a: {  	p0 =	seq.s32 s5, $0x0;
	s5 =	sld [smem:$0x3FAC]  }
0x2b: {  	s6 =	sld [smem:$0x3FAD]  }
0x2c: {  	s7 =	sld [smem:$0x3FAE]  }
0x2d: {  	s3 =	simm.s32 $0x108;
	s8 =	sld [smem:$0x3FAF]  }
0x2e: {  	s3 =	simm.s32 @!p0 $0x1082;
	s9 =	sld [smem:$0x3FB0]  }
0x2f: {  	lr =	sadd.s32 s0, s3;
	s0 =	sld [smem:$0x3FA7]  }
0x30: {  	s3 =	sld [smem:$0x3FAA]  }
0x31: {  	[smem:$0x3FB3] =	sst s10  }
0x32: {  	s10 =	sld [smem:$0x3FB1];
	_ =	sdelay $0x3  }
0x33: {  	p0 =	seq.s32 s10, $0x1;
	s10 =	sld [smem:$0x3FB3];
	_ =	sdelay $0x3  }
0x34: {  	[smem:$0x3FB3] =	sst s10  }
0x35: {  	s10 =	sld [smem:$0x3FB2];
	_ =	sdelay $0x3  }
0x36: {  	p1 =	seq.s32 s10, $0x1;
	s10 =	sld [smem:$0x3FB3];
	_ =	sdelay $0x3  }
0x37: {  	[smem:$0x3FB3] =	sst s10  }
0x38: {  	s10 =	sld [smem:$0x3FB4]  }
0x39: {  	_ = 	snop;
	(pc) =	sbr.ind lr, $3  }
0x3a: {  	_ = 	snop  }
0x3b: {  	_ = 	snop  }
0x3c: {  	p2 =	seq.s32 s10, $0x1;
	s10 =	sld [smem:$0x3FB3]  }
0x3d: {  	_ =	shalt  }
0x3e: {  	_ =	shalt  }
0x3f: {  	_ =	shalt  }
0x40: {  	_ =	shalt  }
0x41: {  	_ =	shalt  }
0x42: {  	_ =	shalt  }
0x43: {  	_ =	shalt  }
0x44: {  	_ =	shalt  }
0x45: {  	_ =	shalt  }
0x46: {  	_ =	shalt  }
0x47: {  	_ =	shalt  }
0x48: {  	_ =	shalt  }
0x49: {  	_ =	shalt  }
0x4a: {  	_ =	shalt  }
0x4b: {  	_ =	shalt  }
0x4c: {  	_ =	shalt  }
0x4d: {  	_ =	shalt  }
0x4e: {  	_ =	shalt  }
0x4f: {  	_ =	shalt  }
0x50: {  	_ =	shalt  }
0x51: {  	_ =	shalt  }
0x52: {  	_ =	shalt  }
0x53: {  	_ =	shalt  }
0x54: {  	_ =	shalt  }
0x55: {  	_ =	shalt  }
0x56: {  	_ =	shalt  }
0x57: {  	_ =	shalt  }
0x58: {  	_ =	shalt  }
0x59: {  	_ =	shalt  }
0x5a: {  	_ =	shalt  }
0x5b: {  	_ =	shalt  }
0x5c: {  	_ =	shalt  }
0x5d: {  	_ =	shalt  }
0x5e: {  	_ =	shalt  }
0x5f: {  	_ =	shalt  }
0x60: {  	_ =	shalt  }
0x61: {  	_ =	shalt  }
0x62: {  	_ =	shalt  }
0x63: {  	_ =	shalt  }
0x64: {  	_ =	shalt  }
0x65: {  	_ =	shalt  }
0x66: {  	_ =	shalt  }
0x67: {  	_ =	shalt  }
0x68: {  	_ =	shalt  }
0x69: {  	_ =	shalt  }
0x6a: {  	_ =	shalt  }
0x6b: {  	_ =	shalt  }
0x6c: {  	_ =	shalt  }
0x6d: {  	_ =	shalt  }
0x6e: {  	_ =	shalt  }
0x6f: {  	_ =	shalt  }
0x70: {  	_ =	shalt  }
0x71: {  	_ =	shalt  }
0x72: {  	_ =	shalt  }
0x73: {  	_ =	shalt  }
0x74: {  	_ =	shalt  }
0x75: {  	_ =	shalt  }
0x76: {  	_ =	shalt  }
0x77: {  	_ =	shalt  }
0x78: {  	_ =	shalt  }
0x79: {  	_ =	shalt  }
0x7a: {  	_ =	shalt  }
0x7b: {  	_ =	shalt  }
0x7c: {  	_ =	shalt  }
0x7d: {  	_ =	shalt  }
0x7e: {  	_ =	shalt  }
0x7f: {  	_ =	shalt  }
0x80: {  	_ =	shalt  }
0x81: {  	_ =	shalt  }
0x82: {  	_ =	shalt  }
0x83: {  	_ =	shalt  }
0x84: {  	_ =	shalt  }
0x85: {  	_ =	shalt  }
0x86: {  	_ =	shalt  }
0x87: {  	_ =	shalt  }
.Lfunc_end0:
.L_simem_size_0:
called_computation.1_lowered:
.L_overlay_start_0:
0x88: {  	s2 =	sld [smem:$0x3FD9]  }
0x89: {  	s3 =	sld [smem:$0x3FFE];
	_ =	sdelay $0x1  }
0x8a: {  	s1 =	srdreg.scid  }
0x8b: {  	s0 =	sand.u32 $0x1, s1  }
0x8c: {  	s17 =	sshll.u32 s0, $0xA;
	s2 =	sadd.s32 s3, s2  }
0x8d: {  	s2 =	sadd.s32 s2, s17  }
0x8e: {  	[smem:$0x3FBF] =	sst s2  }
0x8f: {  	_ = 	snop  }
0x90: {  	s2 =	sld [smem:$0x3FD0];
	(tm) =	ssettm $0x1  }
0x91: {  	s18 =	sld [smem:$0x3FFB];
	_ =	sdelay $0x3  }
0x92: {  	_ =	strace s18  }
0x93: {  	s3 =	sld [smem:$0x3FFC];
	_ =	sdelay $0x3  }
0x94: {  	_ =	strace s3  }
0x95: {  	s3 =	sld [smem:$0x3FFD];
	_ =	sdelay $0x3  }
0x96: {  	_ =	strace s3  }
0x97: {  	_ =	strace $0x8FFFFFFF  }
0x98: {  	s19 =	sld [smem:$0x3FDB];
	_ =	sdelay $0x1  }
0x99: {  	s4 =	simm.s32 $_scs_section_size  }
0x9a: {  	s5 =	simm.s32 $_size__tile_overlayer_lowered;
	s6 =	simm.s32 $_tile_overlayer_lowered  }
0x9b: {  	s22 =	simm.s32 $0x1BFF;
	s21 =	sshll.u32 s6, $0x1;
	s3 =	sadd.s32 s4, s19  }
0x9c: {  	s7 =	simm.s32 $0x0;
	s20 =	sshll.u32 s5, $0x1;
	s5 =	sadd.s32 s21, s3  }
0x9d: {  	[timem:s7], [sflag:s22] =	dma.local [hbm:s5], s20  }
0x9e: {  	_ =	swait.ge [sflag:s22], s20  }
0x9f: {  	s4 =	ssub.s32 $0x0, s20;
	[sflag:s22] =	ssyncset.done $0x0  }
0xa0: {  	[sflag:s22] =	ssyncadd.s32 s4;
	_ =	sdelay $0x1  }
0xa1: {  	s23 =	simm.s32 $0x1B8B  }
0xa2: {  	_ =	swait.ge [sflag:s23], $0x1  }
0xa3: {  	[sflag:s23] =	ssyncset.done $0x0  }
0xa4: {  	s25 =	simm.s32 $0x1B8E;
	s24 =	sld [smem:$0x3FFE];
	[sflag:s23] =	ssyncadd.s32 $0xFFFFFFFF  }
0xa5: {  	s26 =	simm.s32 $execute0_lowered;
	[smem:$0x3FD2] =	sst s25  }
0xa6: {  	s5 =	sshll.u32 s26, $0x1;
	_ =	strace $0x80000049;
	[dreg:$0x1] =	wrdreg $0xFFFFFFFF  }
0xa7: {  	s28 =	simm.s32 $_size_execute0_lowered;
	s3 =	sadd.s32 s3, s5;
	[dreg:$0x0] =	wrdreg $0x0  }
0xa8: {  	s5 =	sshll.u32 s28, $0x1;
	[dreg:$0x2] =	wrdreg s3  }
0xa9: {  	[dreg:$0x3] =	wrdreg s5  }
0xaa: {  	[dreg:$0x4] =	wrdreg $0xC0  }
0xab: {  	_ =	task [dreg:s7], $0x5FFFF  }
0xac: {  	[dreg:$0x1] =	wrdreg $0xFFFFFFFF  }
0xad: {  	[dreg:$0x0] =	wrdreg $0x60  }
0xae: {  	[dreg:$0x2] =	wrdreg s24  }
0xaf: {  	[dreg:$0x3] =	wrdreg s2  }
0xb0: {  	[dreg:$0x4] =	wrdreg $0x9  }
0xb1: {  	_ =	task.clear_ibuf [dreg:s7], $0x5FFFF;
	_ =	strace $0x90000049  }
0xb2: {  	s29 =	simm.s32 $0x9;
	_ =	strace $0x8000004B  }
0xb3: {  	_ =	swait.ge [sflag:s29], $0x1  }
0xb4: {  	[sflag:s29] =	ssyncadd.s32 $0xFFFFFFFF  }
0xb5: {  	_ =	strace $0x9000004B  }
0xb6: {  	_ =	sfence  }
0xb7: {  	s30 =	sld [smem:$0x0];
	_ =	sdelay $0x2  }
0xb8: {  	s31 =	sshll.u32 s1, $0xD;
	s1 =	sshrl.u32 s1, $0x2  }
0xb9: {  	s3 =	sand.u32 $0x4000, s31;
	s1 =	sadd.s32 s1, s30  }
0xba: {  	s0 =	sor.u32 s3, s0;
	s1 =	sshll.u32 s1, $0x11  }
0xbb: {  	s0 =	sor.u32 s1, s0  }
0xbc: {  	s0 =	sadd.s32 $0x8F2B, s0  }
0xbd: {  	[sflag:s0] =	ssyncadd.remote.s32 $0x1  }
0xbe: {  	_ =	sfence.sel $0xFFFF  }
0xbf: {  	[dreg:$0x0] =	wrdreg $0xFFFFFFFF;
	(pc) =	sbr.abs _section_cstart, $3  }
0xc0: {  	[dreg:$0x1] =	wrdreg $0xFFFFFFFF  }
0xc1: {  	_ =	task.clear_ibuf [dreg:s7], $0x2FFFF;
	_ =	strace $0x9FFFFFFF  }
0xc2: {  	(tm) =	ssettm $0x7FFFFFFF  }
0xc3: {  	_ =	shalt  }
tec
execute0_lowered:
.L_overlay_start_1:
0x0: {  	(tag) =	ssettag $0x1  }
0x1: {  	s1 =	srdreg.scid;
	s4 =	rddreg [dreg:$0x0]  }
0x2: {  	s0 =	stileid.u32;
	s5 =	rddreg [dreg:$0x1];
	s18 =	simm.s32 $0x880  }
0x3: {  	s19 =	simm.s32 $0x1080;
	s20 =	simm.s32 $0x1880;
	s21 =	simm.s32 $0x2080  }
0x4: {  	s23 =	simm.s32 $0x2880;
	s24 =	simm.s32 $0x3080;
	s25 =	simm.s32 $0x3880  }
0x5: {  	s26 =	simm.s32 $0x4080;
	s7 =	simm.s32 $0x80;
	s9 =	simm.s32 $0x5080  }
0x6: {  	s10 =	simm.s32 $0x5880;
	s11 =	simm.s32 $0x6080;
	s1 =	sand.u32 $0x1, s1  }
0x7: {  	s12 =	simm.s32 $0x6880;
	s2 =	sshll.u32 s0, $0x8;
	s3 =	sshll.u32 s1, $0x7  }
0x8: {  	s13 =	simm.s32 $0x7080;
	s3 =	sor.u32 s3, s2;
	s2 =	simm.s32 $0x0  }
0x9: {  	s14 =	simm.s32 $0x7880;
	s15 =	simm.s32 $0x8080;
	[smem:$0x7FF] =	sst s2  }
0xa: {  	s16 =	simm.s32 $0x8880;
	_ =	strace $0x8000004A;
	[dreg:$0x5] =	wrdreg s18  }
0xb: {  	s17 =	simm.s32 $0x9080;
	s28 =	simm.s32 $0xE080;
	[dreg:$0x6] =	wrdreg s19  }
0xc: {  	s29 =	simm.s32 $0xE880;
	s30 =	simm.s32 $0xF080;
	[dreg:$0x7] =	wrdreg s20  }
0xd: {  	s31 =	simm.s32 $0xF880;
	s1 =	ssub.s32 $0x2, s1;
	[dreg:$0x8] =	wrdreg s21  }
0xe: {  	s22 =	sshrl.u32 s1, $0x1;
	s6 =	sshrl.u32 s3, $0x3;
	[dreg:$0x9] =	wrdreg s23  }
0xf: {  	s3 =	sshll.u32 s3, $0x6;
	s1 =	ssub.s32 s1, s22;
	[dreg:$0xa] =	wrdreg s24  }
0x10: {  	s22 =	simm.s32 $0xB880;
	s6 =	sadd.s32 s6, s4;
	[dreg:$0xb] =	wrdreg s25  }
0x11: {  	s3 =	sadd.s32 s5, s3;
	s5 =	smax.u32 s1, $0x1;
	[dreg:$0xc] =	wrdreg s26  }
0x12: {  	s18 =	simm.s32 $0x9880;
	s19 =	simm.s32 $0xA080;
	s20 =	simm.s32 $0xA880  }
0x13: {  	s21 =	simm.s32 $0xB080;
	s23 =	simm.s32 $0xC080;
	s24 =	simm.s32 $0xC880  }
0x14: {  	v2 =	vlaneseq.u32;
	s25 =	simm.s32 $0xD080;
	s26 =	simm.s32 $0xD880;
	s1 =	simm.s32 $0x1  }
0x15: {  	vm0 =	vmmov $0xffff;
	v1 =	vshrl.u32 v2, $0x3;
	s6 =	sadd.s32 $0x1E00, s6;
	[dreg:$0x4] =	wrdreg s3;
	s3 =	sadd.s32 $0x2000, s4  }
0x16: {  	v0 =	vand.u32 $0x7, v2;
	v2 =	vor.u32 $0x8, v2;
	v1 =	vmul.u32 $0x8, v1;
	s4 =	sadd.s32 $0x2100, s4;
	[dreg:$0x3] =	wrdreg s6;
	s6 =	simm.s32 $0x2  }
.LBB2_1:
0x17: {  	s0 =	rddreg [dreg:$0x3]  }
0x18: {  	[tilespmem:s2], [sflag:$0x2] =	stream.linear.gather [hbm4b:s0+s2], $0x80, $0x38;
	[tilespmem:$0x10080] =	vst v63  }
0x19: {  	_ =	swait.ge [sflag:s6], $0x80  }
0x1a: {  	[sflag:s6] =	ssyncset.done $0x0  }
0x1b: {  	[sflag:s6] =	ssyncadd.s32 $0xFFFFFF80  }
0x1c: {  	v3 =	vld [tilespmem:$0x0];
	_ =	sdelay $0x4  }
0x1d: {  	v4 =	vshll.u32 v3, $0x2  }
0x1e: {  	v3 =	vand.u32 $0x7, v3;
	v4 =	vand.u32 $0xFFFFFFE0, v4  }
0x1f: {  	v3 =	vor.u32 v3, v4  }
0x20: {  	v4 =	vperm.xlane v3, v0;
	_ =	sdelay $0x1  }
0x21: {  	v4 =	vadd.s32 v1, v4;
	_ =	sdelay $0x1  }
0x22: {  	v3 =	vperm.xlane v3, v2;
	_ =	sdelay $0x1  }
0x23: {  	v3 =	vadd.s32 v1, v3  }
0x24: {  	[tilespmem:s7], [sflag:$0x1] =	stream.indirect_vreg.gather [hbm4b:s3+s2], $0x80, v4, vm0, $0xb8;
	[tilespmem:$0x10080] =	vst v63  }
0x25: {  	s0 =	rddreg [dreg:$0x5]  }
0x26: {  	[tilespmem:s0], [sflag:$0x1] =	stream.indirect_vreg.gather [hbm4b:s4+s2], $0x80, v4, vm0, $0xb8;
	[tilespmem:$0x10080] =	vst v63  }
0x27: {  	s8 =	rddreg [dreg:$0x6]  }
0x28: {  	[tilespmem:s8], [sflag:$0x1] =	stream.indirect_vreg.gather [hbm4b:s3+s2], $0x80, v3, vm0, $0xb8;
	[tilespmem:$0x10080] =	vst v63  }
0x29: {  	s0 =	rddreg [dreg:$0x7]  }
0x2a: {  	[tilespmem:s0], [sflag:$0x1] =	stream.indirect_vreg.gather [hbm4b:s4+s2], $0x80, v3, vm0, $0xb8;
	[tilespmem:$0x10080] =	vst v63  }
0x2b: {  	v3 =	vld [tilespmem:$0x10];
	_ =	sdelay $0x4  }
0x2c: {  	v57 =	vshll.u32 v3, $0x2  }
0x2d: {  	v3 =	vand.u32 $0x7, v3;
	v4 =	vand.u32 $0xFFFFFFE0, v57  }
0x2e: {  	v3 =	vor.u32 v3, v4  }
0x2f: {  	v4 =	vperm.xlane v3, v0;
	_ =	sdelay $0x1  }
0x30: {  	v4 =	vadd.s32 v1, v4;
	_ =	sdelay $0x1  }
0x31: {  	v3 =	vperm.xlane v3, v2;
	_ =	sdelay $0x1  }
0x32: {  	s0 =	rddreg [dreg:$0x8];
	v3 =	vadd.s32 v1, v3  }
0x33: {  	[tilespmem:s0], [sflag:$0x1] =	stream.indirect_vreg.gather [hbm4b:s3+s2], $0x80, v4, vm0, $0xb8;
	[tilespmem:$0x10080] =	vst v63  }
0x34: {  	s8 =	rddreg [dreg:$0x9]  }
0x35: {  	[tilespmem:s8], [sflag:$0x1] =	stream.indirect_vreg.gather [hbm4b:s4+s2], $0x80, v4, vm0, $0xb8;
	[tilespmem:$0x10080] =	vst v63  }
0x36: {  	s0 =	rddreg [dreg:$0xa]  }
0x37: {  	[tilespmem:s0], [sflag:$0x1] =	stream.indirect_vreg.gather [hbm4b:s3+s2], $0x80, v3, vm0, $0xb8;
	[tilespmem:$0x10080] =	vst v63  }
0x38: {  	s8 =	rddreg [dreg:$0xb]  }
0x39: {  	[tilespmem:s8], [sflag:$0x1] =	stream.indirect_vreg.gather [hbm4b:s4+s2], $0x80, v3, vm0, $0xb8;
	[tilespmem:$0x10080] =	vst v63  }
0x3a: {  	v3 =	vld [tilespmem:$0x20];
	_ =	sdelay $0x4  }
0x3b: {  	v58 =	vshll.u32 v3, $0x2  }
0x3c: {  	v3 =	vand.u32 $0x7, v3;
	v4 =	vand.u32 $0xFFFFFFE0, v58  }
0x3d: {  	v3 =	vor.u32 v3, v4  }
0x3e: {  	v4 =	vperm.xlane v3, v0;
	_ =	sdelay $0x1  }
0x3f: {  	v4 =	vadd.s32 v1, v4;
	_ =	sdelay $0x1  }
0x40: {  	v3 =	vperm.xlane v3, v2;
	_ =	sdelay $0x1  }
0x41: {  	s8 =	rddreg [dreg:$0xc];
	v3 =	vadd.s32 v1, v3  }
0x42: {  	[tilespmem:s8], [sflag:$0x1] =	stream.indirect_vreg.gather [hbm4b:s3+s2], $0x80, v4, vm0, $0xb8;
	[tilespmem:$0x10080] =	vst v63  }
0x43: {  	s8 =	simm.s32 $0x4880  }
0x44: {  	[tilespmem:s8], [sflag:$0x1] =	stream.indirect_vreg.gather [hbm4b:s4+s2], $0x80, v4, vm0, $0xb8;
	[tilespmem:$0x10080] =	vst v63  }
0x45: {  	_ = 	snop  }
0x46: {  	[tilespmem:s9], [sflag:$0x1] =	stream.indirect_vreg.gather [hbm4b:s3+s2], $0x80, v3, vm0, $0xb8;
	[tilespmem:$0x10080] =	vst v63  }
0x47: {  	_ = 	snop  }
0x48: {  	[tilespmem:s10], [sflag:$0x1] =	stream.indirect_vreg.gather [hbm4b:s4+s2], $0x80, v3, vm0, $0xb8;
	[tilespmem:$0x10080] =	vst v63  }
0x49: {  	v3 =	vld [tilespmem:$0x30];
	_ =	sdelay $0x4  }
0x4a: {  	v59 =	vshll.u32 v3, $0x2  }
0x4b: {  	v3 =	vand.u32 $0x7, v3;
	v4 =	vand.u32 $0xFFFFFFE0, v59  }
0x4c: {  	v3 =	vor.u32 v3, v4  }
0x4d: {  	v4 =	vperm.xlane v3, v0;
	_ =	sdelay $0x1  }
0x4e: {  	v4 =	vadd.s32 v1, v4;
	_ =	sdelay $0x1  }
0x4f: {  	v3 =	vperm.xlane v3, v2;
	_ =	sdelay $0x1  }
0x50: {  	v3 =	vadd.s32 v1, v3  }
0x51: {  	[tilespmem:s11], [sflag:$0x1] =	stream.indirect_vreg.gather [hbm4b:s3+s2], $0x80, v4, vm0, $0xb8;
	[tilespmem:$0x10080] =	vst v63  }
0x52: {  	_ = 	snop  }
0x53: {  	[tilespmem:s12], [sflag:$0x1] =	stream.indirect_vreg.gather [hbm4b:s4+s2], $0x80, v4, vm0, $0xb8;
	[tilespmem:$0x10080] =	vst v63  }
0x54: {  	_ = 	snop  }
0x55: {  	[tilespmem:s13], [sflag:$0x1] =	stream.indirect_vreg.gather [hbm4b:s3+s2], $0x80, v3, vm0, $0xb8;
	[tilespmem:$0x10080] =	vst v63  }
0x56: {  	_ = 	snop  }
0x57: {  	[tilespmem:s14], [sflag:$0x1] =	stream.indirect_vreg.gather [hbm4b:s4+s2], $0x80, v3, vm0, $0xb8;
	[tilespmem:$0x10080] =	vst v63  }
0x58: {  	v3 =	vld [tilespmem:$0x40];
	_ =	sdelay $0x4  }
0x59: {  	v60 =	vshll.u32 v3, $0x2  }
0x5a: {  	v3 =	vand.u32 $0x7, v3;
	v4 =	vand.u32 $0xFFFFFFE0, v60  }
0x5b: {  	v3 =	vor.u32 v3, v4  }
0x5c: {  	v4 =	vperm.xlane v3, v0;
	_ =	sdelay $0x1  }
0x5d: {  	v4 =	vadd.s32 v1, v4;
	_ =	sdelay $0x1  }
0x5e: {  	v3 =	vperm.xlane v3, v2;
	_ =	sdelay $0x1  }
0x5f: {  	v3 =	vadd.s32 v1, v3  }
0x60: {  	[tilespmem:s15], [sflag:$0x1] =	stream.indirect_vreg.gather [hbm4b:s3+s2], $0x80, v4, vm0, $0xb8;
	[tilespmem:$0x10080] =	vst v63  }
0x61: {  	_ = 	snop  }
0x62: {  	[tilespmem:s16], [sflag:$0x1] =	stream.indirect_vreg.gather [hbm4b:s4+s2], $0x80, v4, vm0, $0xb8;
	[tilespmem:$0x10080] =	vst v63  }
0x63: {  	_ = 	snop  }
0x64: {  	[tilespmem:s17], [sflag:$0x1] =	stream.indirect_vreg.gather [hbm4b:s3+s2], $0x80, v3, vm0, $0xb8;
	[tilespmem:$0x10080] =	vst v63  }
0x65: {  	_ = 	snop  }
0x66: {  	[tilespmem:s18], [sflag:$0x1] =	stream.indirect_vreg.gather [hbm4b:s4+s2], $0x80, v3, vm0, $0xb8;
	[tilespmem:$0x10080] =	vst v63  }
0x67: {  	v3 =	vld [tilespmem:$0x50];
	_ =	sdelay $0x4  }
0x68: {  	v61 =	vshll.u32 v3, $0x2  }
0x69: {  	v3 =	vand.u32 $0x7, v3;
	v4 =	vand.u32 $0xFFFFFFE0, v61  }
0x6a: {  	v3 =	vor.u32 v3, v4  }
0x6b: {  	v4 =	vperm.xlane v3, v0;
	_ =	sdelay $0x1  }
0x6c: {  	v4 =	vadd.s32 v1, v4;
	_ =	sdelay $0x1  }
0x6d: {  	v3 =	vperm.xlane v3, v2;
	_ =	sdelay $0x1  }
0x6e: {  	v3 =	vadd.s32 v1, v3  }
0x6f: {  	[tilespmem:s19], [sflag:$0x1] =	stream.indirect_vreg.gather [hbm4b:s3+s2], $0x80, v4, vm0, $0xb8;
	[tilespmem:$0x10080] =	vst v63  }
0x70: {  	_ = 	snop  }
0x71: {  	[tilespmem:s20], [sflag:$0x1] =	stream.indirect_vreg.gather [hbm4b:s4+s2], $0x80, v4, vm0, $0xb8;
	[tilespmem:$0x10080] =	vst v63  }
0x72: {  	_ = 	snop  }
0x73: {  	[tilespmem:s21], [sflag:$0x1] =	stream.indirect_vreg.gather [hbm4b:s3+s2], $0x80, v3, vm0, $0xb8;
	[tilespmem:$0x10080] =	vst v63  }
0x74: {  	_ = 	snop  }
0x75: {  	[tilespmem:s22], [sflag:$0x1] =	stream.indirect_vreg.gather [hbm4b:s4+s2], $0x80, v3, vm0, $0xb8;
	[tilespmem:$0x10080] =	vst v63  }
0x76: {  	v3 =	vld [tilespmem:$0x60];
	_ =	sdelay $0x4  }
0x77: {  	v62 =	vshll.u32 v3, $0x2  }
0x78: {  	v3 =	vand.u32 $0x7, v3;
	v4 =	vand.u32 $0xFFFFFFE0, v62  }
0x79: {  	v3 =	vor.u32 v3, v4  }
0x7a: {  	v4 =	vperm.xlane v3, v0;
	_ =	sdelay $0x1  }
0x7b: {  	v4 =	vadd.s32 v1, v4;
	_ =	sdelay $0x1  }
0x7c: {  	v3 =	vperm.xlane v3, v2;
	_ =	sdelay $0x1  }
0x7d: {  	v3 =	vadd.s32 v1, v3  }
0x7e: {  	[tilespmem:s23], [sflag:$0x1] =	stream.indirect_vreg.gather [hbm4b:s3+s2], $0x80, v4, vm0, $0xb8;
	[tilespmem:$0x10080] =	vst v63  }
0x7f: {  	_ = 	snop  }
0x80: {  	[tilespmem:s24], [sflag:$0x1] =	stream.indirect_vreg.gather [hbm4b:s4+s2], $0x80, v4, vm0, $0xb8;
	[tilespmem:$0x10080] =	vst v63  }
0x81: {  	_ = 	snop  }
0x82: {  	[tilespmem:s25], [sflag:$0x1] =	stream.indirect_vreg.gather [hbm4b:s3+s2], $0x80, v3, vm0, $0xb8;
	[tilespmem:$0x10080] =	vst v63  }
0x83: {  	_ = 	snop  }
0x84: {  	[tilespmem:s26], [sflag:$0x1] =	stream.indirect_vreg.gather [hbm4b:s4+s2], $0x80, v3, vm0, $0xb8;
	[tilespmem:$0x10080] =	vst v63  }
0x85: {  	v3 =	vld [tilespmem:$0x70];
	_ =	sdelay $0x4  }
0x86: {  	v63 =	vshll.u32 v3, $0x2  }
0x87: {  	v3 =	vand.u32 $0x7, v3;
	v4 =	vand.u32 $0xFFFFFFE0, v63  }
0x88: {  	v3 =	vor.u32 v3, v4  }
0x89: {  	v4 =	vperm.xlane v3, v0;
	_ =	sdelay $0x1  }
0x8a: {  	v4 =	vadd.s32 v1, v4;
	_ =	sdelay $0x1  }
0x8b: {  	v3 =	vperm.xlane v3, v2;
	_ =	sdelay $0x1  }
0x8c: {  	v3 =	vadd.s32 v1, v3  }
0x8d: {  	[tilespmem:s28], [sflag:$0x1] =	stream.indirect_vreg.gather [hbm4b:s3+s2], $0x80, v4, vm0, $0xb8;
	[tilespmem:$0x10080] =	vst v63  }
0x8e: {  	_ = 	snop  }
0x8f: {  	[tilespmem:s29], [sflag:$0x1] =	stream.indirect_vreg.gather [hbm4b:s4+s2], $0x80, v4, vm0, $0xb8;
	[tilespmem:$0x10080] =	vst v63  }
0x90: {  	_ = 	snop  }
0x91: {  	[tilespmem:s30], [sflag:$0x1] =	stream.indirect_vreg.gather [hbm4b:s3+s2], $0x80, v3, vm0, $0xb8;
	[tilespmem:$0x10080] =	vst v63  }
0x92: {  	_ = 	snop  }
0x93: {  	[tilespmem:s31], [sflag:$0x1] =	stream.indirect_vreg.gather [hbm4b:s4+s2], $0x80, v3, vm0, $0xb8;
	[tilespmem:$0x10080] =	vst v63  }
0x94: {  	_ =	swait.ge [sflag:s1], $0x10000  }
0x95: {  	p0 =	sne.s32 s5, $0x1;
	[sflag:s1] =	ssyncset.done $0x0  }
.Ltmp0:
0x96: {  	s8 =	rddreg [dreg:$0x4];
	[sflag:s1] =	ssyncadd.s32 $0xFFFF0000;
	(pc) =	sbr.rel @p0 .LBB2_1-.Ltmp0, $4  }
0x97: {  	[hbm4b:s8+s2] =	stream.linear.scatter [tilespmem:s7], [sflag:$0x2], $0x10000, $0x38;
	[tilespmem:$0x10080] =	vst v63  }
0x98: {  	_ =	swait.ge [sflag:s6], $0x10000  }
0x99: {  	[sflag:s6] =	ssyncset.done $0x0  }
0x9a: {  	s5 =	sadd.s32 $0xFFFFFFFF, s5;
	[sflag:s6] =	ssyncadd.s32 $0xFFFF0000  }
0x9b: {  	_ =	sfence.sel $0x180000  }
0x9c: {  	[bflag:$0x0] =	sbarrier.arrive $0xFFFF  }
0x9d: {  	_ =	strace $0x9000004A  }
0x9e: {  	s0 =	stileid.u32;
	[bflag:$0x2] =	sbarrier.arrive $0xFFFF  }
0x9f: {  	p0 =	sne.s32 s0, $0x0;
	s0 =	rddreg [dreg:$0x2]  }
0xa0: {  	s0 =	sadd.s32 @!p0 $0x100000, s0  }
0xa1: {  	[sflag:s0] =	ssyncadd.tile.s32 @!p0 $0x1;
	_ =	shalt  }
.Lfunc_end2:
_tile_overlayer_lowered:
.L_overlay_start_2:
0xa2: {  	(tag) =	ssettag $0x2  }
0xa3: {  	s0 =	rddreg [dreg:$0x0];
	s2 =	stileid.u32  }
0xa4: {  	s1 =	rddreg [dreg:$0x1];
	p0 =	sne.s32 s2, $0x0  }
0xa5: {  	s3 =	rddreg [dreg:$0x2];
	[bflag:$0x3] =	sbarrier.arrive $0xFFFF;
	s2 =	simm.s32 @!p0 $0x1C02  }
0xa6: {  	[timem:s3], [sflag:s2] =	dma.local @!p0 [hbm:s0], s1  }
0xa7: {  	s0 =	simm.s32 @!p0 $0x2  }
0xa8: {  	_ =	swait.ge @!p0 [sflag:s0], s1  }
0xa9: {  	s1 =	ssub.s32 @!p0 $0x0, s1;
	[sflag:s0] =	ssyncset.done @!p0 $0x0  }
0xaa: {  	[sflag:s0] =	ssyncadd.s32 @!p0 s1  }
0xab: {  	[bflag:$0x3] =	sbarrier.arrive $0xFFFF  }
0xac: {  	_ =	shalt  }

// kernel: kernel.8.cloned.1.call-start
scs
__scs_entry_jumppad:
0x0: {  	(pc) =	sbr.rel $0x88, $3  }
0x1: {  	(tag) =	ssettag $0x0;
	lr =	simm.s32 $0x1  }
0x2: {  	[smem:$0x3F98] =	sst lr;
	_ =	strace $0xD0000000  }
0x3: {  	_ = 	snop  }
0x4: {  	_ = 	snop  }
0x5: {  	_ = 	snop  }
0x6: {  	_ = 	snop  }
0x7: {  	_ = 	snop  }
__scs_overlays_trampoline_lowered:
0x8: {  	[smem:$0x3FA7] =	sst s0  }
0x9: {  	[smem:$0x3FA8] =	sst s1  }
0xa: {  	[smem:$0x3FA9] =	sst s2  }
0xb: {  	[smem:$0x3FAA] =	sst s3  }
0xc: {  	[smem:$0x3FAB] =	sst s4  }
0xd: {  	[smem:$0x3FAC] =	sst s5  }
0xe: {  	[smem:$0x3FAD] =	sst s6  }
0xf: {  	[smem:$0x3FAE] =	sst s7  }
0x10: {  	[smem:$0x3FAF] =	sst s8  }
0x11: {  	[smem:$0x3FB0] =	sst s9;
	s0 =	simm.s32 @!p0 $0x0  }
0x12: {  	s1 =	sld [smem:$0x3F96];
	s0 =	simm.s32 @p0 $0x1  }
0x13: {  	[smem:$0x3FB1] =	sst s0;
	s0 =	simm.s32 @!p1 $0x0  }
0x14: {  	s2 =	sld [smem:$0x3F95];
	s0 =	simm.s32 @p1 $0x1  }
0x15: {  	[smem:$0x3FB2] =	sst s0;
	s0 =	simm.s32 @!p2 $0x0  }
0x16: {  	s3 =	sld [smem:$0x3FDB];
	s0 =	simm.s32 @p2 $0x1  }
0x17: {  	s4 =	simm.s32 $0x1BF5;
	[smem:$0x3FB4] =	sst s0  }
0x18: {  	s0 =	sld [smem:$0x3F97];
	_ =	swait.ge [sflag:s4], $0x0  }
0x19: {  	s7 =	sld [smem:$0x3F98]  }
0x1a: {  	s8 =	sadd.s32 $0xFFFFE003, lr  }
0x1b: {  	s9 =	sadd.s32 $0xFFFFFEF7, lr;
	s5 =	simm.s32 $0xFFFFFFFF;
	p2 =	slt.u32 s8, $0xFFFFF086  }
0x1c: {  	p1 =	slt.u32 s9, $0xF7A;
	s5 =	simm.s32 @!p2 $0x0  }
0x1d: {  	s5 =	simm.s32 @p1 $0x1;
	p0 =	seq.s32 s7, s2  }
0x1e: {  	s7 =	smul.u32 @!p0 $0xF7A, s2;
	p2 =	seq.s32 @!p0 s5, $0x0  }
0x1f: {  	s9 =	smul.u32 $0xF7A, s1;
	s8 =	simm.s32 @!p0 $0x1BF5;
	p2 =	por !p2, p0  }
0x20: {  	[sflag:s8] =	ssyncset.s32 @!p0 $0xFFFFF086;
	s6 =	sadd.s32 @!p0 s3, s7;
	s7 =	simm.s32 @!p0 $0x108  }
0x21: {  	s3 =	sadd.s32 s3, s9;
	s6 =	sadd.s32 @!p0 $0x88, s6;
	s7 =	simm.s32 @p2 $0x1082  }
0x22: {  	[simem:s7], [sflag:s8] =	dma.local @!p0 [hbm:s6], $0xF7A  }
0x23: {  	s9 =	sor.u32 $0xD0000000, s2;
	s6 =	simm.s32 $0x108;
	_ =	swait.ge @!p0 [sflag:s8], $0x0  }
0x24: {  	s3 =	sadd.s32 $0x88, s3;
	s6 =	simm.s32 @!p1 $0x1082;
	[sflag:s4] =	ssyncset.s32 $0xFFFFF086  }
0x25: {  	[simem:s6], [sflag:s4] =	dma.local [hbm:s3], $0xF7A  }
0x26: {  	[smem:$0x3F98] =	sst s1;
	(tag) =	ssettag s2;
	_ =	strace s9  }
0x27: {  	s1 =	sld [smem:$0x3FA8]  }
0x28: {  	s2 =	sld [smem:$0x3FA9]  }
0x29: {  	s4 =	sld [smem:$0x3FAB]  }
0x2a: {  	p0 =	seq.s32 s5, $0x0;
	s5 =	sld [smem:$0x3FAC]  }
0x2b: {  	s6 =	sld [smem:$0x3FAD]  }
0x2c: {  	s7 =	sld [smem:$0x3FAE]  }
0x2d: {  	s3 =	simm.s32 $0x108;
	s8 =	sld [smem:$0x3FAF]  }
0x2e: {  	s3 =	simm.s32 @!p0 $0x1082;
	s9 =	sld [smem:$0x3FB0]  }
0x2f: {  	lr =	sadd.s32 s0, s3;
	s0 =	sld [smem:$0x3FA7]  }
0x30: {  	s3 =	sld [smem:$0x3FAA]  }
0x31: {  	[smem:$0x3FB3] =	sst s10  }
0x32: {  	s10 =	sld [smem:$0x3FB1];
	_ =	sdelay $0x3  }
0x33: {  	p0 =	seq.s32 s10, $0x1;
	s10 =	sld [smem:$0x3FB3];
	_ =	sdelay $0x3  }
0x34: {  	[smem:$0x3FB3] =	sst s10  }
0x35: {  	s10 =	sld [smem:$0x3FB2];
	_ =	sdelay $0x3  }
0x36: {  	p1 =	seq.s32 s10, $0x1;
	s10 =	sld [smem:$0x3FB3];
	_ =	sdelay $0x3  }
0x37: {  	[smem:$0x3FB3] =	sst s10  }
0x38: {  	s10 =	sld [smem:$0x3FB4]  }
0x39: {  	_ = 	snop;
	(pc) =	sbr.ind lr, $3  }
0x3a: {  	_ = 	snop  }
0x3b: {  	_ = 	snop  }
0x3c: {  	p2 =	seq.s32 s10, $0x1;
	s10 =	sld [smem:$0x3FB3]  }
0x3d: {  	_ =	shalt  }
0x3e: {  	_ =	shalt  }
0x3f: {  	_ =	shalt  }
0x40: {  	_ =	shalt  }
0x41: {  	_ =	shalt  }
0x42: {  	_ =	shalt  }
0x43: {  	_ =	shalt  }
0x44: {  	_ =	shalt  }
0x45: {  	_ =	shalt  }
0x46: {  	_ =	shalt  }
0x47: {  	_ =	shalt  }
0x48: {  	_ =	shalt  }
0x49: {  	_ =	shalt  }
0x4a: {  	_ =	shalt  }
0x4b: {  	_ =	shalt  }
0x4c: {  	_ =	shalt  }
0x4d: {  	_ =	shalt  }
0x4e: {  	_ =	shalt  }
0x4f: {  	_ =	shalt  }
0x50: {  	_ =	shalt  }
0x51: {  	_ =	shalt  }
0x52: {  	_ =	shalt  }
0x53: {  	_ =	shalt  }
0x54: {  	_ =	shalt  }
0x55: {  	_ =	shalt  }
0x56: {  	_ =	shalt  }
0x57: {  	_ =	shalt  }
0x58: {  	_ =	shalt  }
0x59: {  	_ =	shalt  }
0x5a: {  	_ =	shalt  }
0x5b: {  	_ =	shalt  }
0x5c: {  	_ =	shalt  }
0x5d: {  	_ =	shalt  }
0x5e: {  	_ =	shalt  }
0x5f: {  	_ =	shalt  }
0x60: {  	_ =	shalt  }
0x61: {  	_ =	shalt  }
0x62: {  	_ =	shalt  }
0x63: {  	_ =	shalt  }
0x64: {  	_ =	shalt  }
0x65: {  	_ =	shalt  }
0x66: {  	_ =	shalt  }
0x67: {  	_ =	shalt  }
0x68: {  	_ =	shalt  }
0x69: {  	_ =	shalt  }
0x6a: {  	_ =	shalt  }
0x6b: {  	_ =	shalt  }
0x6c: {  	_ =	shalt  }
0x6d: {  	_ =	shalt  }
0x6e: {  	_ =	shalt  }
0x6f: {  	_ =	shalt  }
0x70: {  	_ =	shalt  }
0x71: {  	_ =	shalt  }
0x72: {  	_ =	shalt  }
0x73: {  	_ =	shalt  }
0x74: {  	_ =	shalt  }
0x75: {  	_ =	shalt  }
0x76: {  	_ =	shalt  }
0x77: {  	_ =	shalt  }
0x78: {  	_ =	shalt  }
0x79: {  	_ =	shalt  }
0x7a: {  	_ =	shalt  }
0x7b: {  	_ =	shalt  }
0x7c: {  	_ =	shalt  }
0x7d: {  	_ =	shalt  }
0x7e: {  	_ =	shalt  }
0x7f: {  	_ =	shalt  }
0x80: {  	_ =	shalt  }
0x81: {  	_ =	shalt  }
0x82: {  	_ =	shalt  }
0x83: {  	_ =	shalt  }
0x84: {  	_ =	shalt  }
0x85: {  	_ =	shalt  }
0x86: {  	_ =	shalt  }
0x87: {  	_ =	shalt  }
.Lfunc_end0:
.L_simem_size_0:
called_computation_lowered:
.L_overlay_start_0:
0x88: {  	s2 =	sld [smem:$0x3FD9]  }
0x89: {  	s3 =	sld [smem:$0x3FFE];
	_ =	sdelay $0x1  }
0x8a: {  	s1 =	srdreg.scid  }
0x8b: {  	s0 =	sand.u32 $0x1, s1  }
0x8c: {  	s17 =	sshll.u32 s0, $0xA;
	s2 =	sadd.s32 s3, s2  }
0x8d: {  	s2 =	sadd.s32 s2, s17  }
0x8e: {  	[smem:$0x3FBF] =	sst s2  }
0x8f: {  	_ = 	snop  }
0x90: {  	s2 =	sld [smem:$0x3FD0];
	(tm) =	ssettm $0x1  }
0x91: {  	s18 =	sld [smem:$0x3FFB];
	_ =	sdelay $0x3  }
0x92: {  	_ =	strace s18  }
0x93: {  	s3 =	sld [smem:$0x3FFC];
	_ =	sdelay $0x3  }
0x94: {  	_ =	strace s3  }
0x95: {  	s3 =	sld [smem:$0x3FFD];
	_ =	sdelay $0x3  }
0x96: {  	_ =	strace s3  }
0x97: {  	_ =	strace $0x8FFFFFFF  }
0x98: {  	s19 =	sld [smem:$0x3FDB];
	_ =	sdelay $0x1  }
0x99: {  	s4 =	simm.s32 $_scs_section_size  }
0x9a: {  	s5 =	simm.s32 $_size__tile_overlayer_lowered;
	s6 =	simm.s32 $_tile_overlayer_lowered  }
0x9b: {  	s22 =	simm.s32 $0x1BFF;
	s21 =	sshll.u32 s6, $0x1;
	s3 =	sadd.s32 s4, s19  }
0x9c: {  	s7 =	simm.s32 $0x0;
	s20 =	sshll.u32 s5, $0x1;
	s5 =	sadd.s32 s21, s3  }
0x9d: {  	[timem:s7], [sflag:s22] =	dma.local [hbm:s5], s20  }
0x9e: {  	_ =	swait.ge [sflag:s22], s20  }
0x9f: {  	s4 =	ssub.s32 $0x0, s20;
	[sflag:s22] =	ssyncset.done $0x0  }
0xa0: {  	[sflag:s22] =	ssyncadd.s32 s4;
	_ =	sdelay $0x1  }
0xa1: {  	s23 =	simm.s32 $0x1B8B  }
0xa2: {  	_ =	swait.ge [sflag:s23], $0x1  }
0xa3: {  	[sflag:s23] =	ssyncset.done $0x0  }
0xa4: {  	s25 =	simm.s32 $0x1B8E;
	s24 =	sld [smem:$0x3FFE];
	[sflag:s23] =	ssyncadd.s32 $0xFFFFFFFF  }
0xa5: {  	s26 =	simm.s32 $execute0_lowered;
	[smem:$0x3FD2] =	sst s25  }
0xa6: {  	s5 =	sshll.u32 s26, $0x1;
	_ =	strace $0x80000046;
	[dreg:$0x1] =	wrdreg $0xFFFFFFFF  }
0xa7: {  	s28 =	simm.s32 $_size_execute0_lowered;
	s3 =	sadd.s32 s3, s5;
	[dreg:$0x0] =	wrdreg $0x0  }
0xa8: {  	s5 =	sshll.u32 s28, $0x1;
	[dreg:$0x2] =	wrdreg s3  }
0xa9: {  	[dreg:$0x3] =	wrdreg s5  }
0xaa: {  	[dreg:$0x4] =	wrdreg $0xC0  }
0xab: {  	_ =	task [dreg:s7], $0x5FFFF  }
0xac: {  	[dreg:$0x1] =	wrdreg $0xFFFFFFFF  }
0xad: {  	[dreg:$0x0] =	wrdreg $0x60  }
0xae: {  	[dreg:$0x2] =	wrdreg s2  }
0xaf: {  	[dreg:$0x3] =	wrdreg s24  }
0xb0: {  	[dreg:$0x4] =	wrdreg $0x9  }
0xb1: {  	_ =	task.clear_ibuf [dreg:s7], $0x5FFFF;
	_ =	strace $0x90000046  }
0xb2: {  	s29 =	simm.s32 $0x9;
	_ =	strace $0x80000048  }
0xb3: {  	_ =	swait.ge [sflag:s29], $0x1  }
0xb4: {  	[sflag:s29] =	ssyncadd.s32 $0xFFFFFFFF  }
0xb5: {  	_ =	strace $0x90000048  }
0xb6: {  	_ =	sfence  }
0xb7: {  	s30 =	sld [smem:$0x0];
	_ =	sdelay $0x2  }
0xb8: {  	s31 =	sshll.u32 s1, $0xD;
	s1 =	sshrl.u32 s1, $0x2  }
0xb9: {  	s3 =	sand.u32 $0x4000, s31;
	s1 =	sadd.s32 s1, s30  }
0xba: {  	s0 =	sor.u32 s3, s0;
	s1 =	sshll.u32 s1, $0x11  }
0xbb: {  	s0 =	sor.u32 s1, s0  }
0xbc: {  	s0 =	sadd.s32 $0x8F2B, s0  }
0xbd: {  	[sflag:s0] =	ssyncadd.remote.s32 $0x1  }
0xbe: {  	_ =	sfence.sel $0xFFFF  }
0xbf: {  	[dreg:$0x0] =	wrdreg $0xFFFFFFFF;
	(pc) =	sbr.abs _section_cstart, $3  }
0xc0: {  	[dreg:$0x1] =	wrdreg $0xFFFFFFFF  }
0xc1: {  	_ =	task.clear_ibuf [dreg:s7], $0x2FFFF;
	_ =	strace $0x9FFFFFFF  }
0xc2: {  	(tm) =	ssettm $0x7FFFFFFF  }
0xc3: {  	_ =	shalt  }
tec
execute0_lowered:
.L_overlay_start_1:
0x0: {  	(tag) =	ssettag $0x1  }
0x1: {  	s1 =	srdreg.scid  }
0x2: {  	s0 =	stileid.u32;
	s3 =	rddreg [dreg:$0x0]  }
0x3: {  	s5 =	rddreg [dreg:$0x1];
	s18 =	simm.s32 $0x880;
	s19 =	simm.s32 $0x1080  }
0x4: {  	s20 =	simm.s32 $0x1880;
	s21 =	simm.s32 $0x2080;
	s23 =	simm.s32 $0x2880  }
0x5: {  	s24 =	simm.s32 $0x3080;
	s25 =	simm.s32 $0x3880;
	s26 =	simm.s32 $0x4080  }
0x6: {  	s7 =	simm.s32 $0x80;
	s9 =	simm.s32 $0x5080;
	s10 =	simm.s32 $0x5880  }
0x7: {  	s11 =	simm.s32 $0x6080;
	s12 =	simm.s32 $0x6880;
	s1 =	sand.u32 $0x1, s1  }
0x8: {  	s13 =	simm.s32 $0x7080;
	s2 =	sshll.u32 s0, $0x8;
	s4 =	sshll.u32 s1, $0x7  }
0x9: {  	s14 =	simm.s32 $0x7880;
	s4 =	sor.u32 s4, s2;
	s2 =	simm.s32 $0x0  }
0xa: {  	s15 =	simm.s32 $0x8080;
	s16 =	simm.s32 $0x8880;
	[smem:$0x7FF] =	sst s2  }
0xb: {  	s17 =	simm.s32 $0x9080;
	_ =	strace $0x80000047;
	[dreg:$0x5] =	wrdreg s18  }
0xc: {  	s28 =	simm.s32 $0xE080;
	s29 =	simm.s32 $0xE880;
	[dreg:$0x6] =	wrdreg s19  }
0xd: {  	s30 =	simm.s32 $0xF080;
	s1 =	ssub.s32 $0x2, s1;
	[dreg:$0x7] =	wrdreg s20  }
0xe: {  	s31 =	simm.s32 $0xF880;
	s22 =	sshrl.u32 s1, $0x1;
	[dreg:$0x8] =	wrdreg s21  }
0xf: {  	s6 =	sshrl.u32 s4, $0x3;
	s4 =	sshll.u32 s4, $0x6;
	[dreg:$0x9] =	wrdreg s23  }
0x10: {  	s1 =	ssub.s32 s1, s22;
	s22 =	simm.s32 $0xB880;
	[dreg:$0xa] =	wrdreg s24  }
0x11: {  	s6 =	sadd.s32 s6, s5;
	s4 =	sand.u32 $0x1E000, s4;
	[dreg:$0xb] =	wrdreg s25  }
0x12: {  	[dreg:$0xc] =	wrdreg s26;
	s18 =	simm.s32 $0x9880;
	s19 =	simm.s32 $0xA080  }
0x13: {  	s20 =	simm.s32 $0xA880;
	s21 =	simm.s32 $0xB080;
	s23 =	simm.s32 $0xC080  }
0x14: {  	s24 =	simm.s32 $0xC880;
	s25 =	simm.s32 $0xD080;
	s6 =	sadd.s32 $0x1E00, s6  }
0x15: {  	v2 =	vlaneseq.u32;
	s26 =	simm.s32 $0xD880;
	s3 =	sadd.s32 s3, s4;
	[dreg:$0x3] =	wrdreg s6  }
0x16: {  	vm0 =	vmmov $0xffff;
	v1 =	vshrl.u32 v2, $0x3;
	s4 =	sadd.s32 $0x2100, s5;
	[dreg:$0x4] =	wrdreg s3;
	s3 =	sadd.s32 $0x2000, s5  }
0x17: {  	v0 =	vand.u32 $0x7, v2;
	v2 =	vor.u32 $0x8, v2;
	v1 =	vmul.u32 $0x8, v1;
	s5 =	smax.u32 s1, $0x1;
	s6 =	simm.s32 $0x2;
	s1 =	simm.s32 $0x1  }
.LBB2_1:
0x18: {  	s0 =	rddreg [dreg:$0x3]  }
0x19: {  	[tilespmem:s2], [sflag:$0x2] =	stream.linear.gather [hbm4b:s0+s2], $0x80, $0x38;
	[tilespmem:$0x10080] =	vst v63  }
0x1a: {  	_ =	swait.ge [sflag:s6], $0x80  }
0x1b: {  	[sflag:s6] =	ssyncset.done $0x0  }
0x1c: {  	s8 =	rddreg [dreg:$0x4];
	[sflag:s6] =	ssyncadd.s32 $0xFFFFFF80  }
0x1d: {  	[tilespmem:s7], [sflag:$0x2] =	stream.linear.gather [hbm4b:s8+s2], $0x10000, $0x38;
	[tilespmem:$0x10080] =	vst v63  }
0x1e: {  	_ =	swait.ge [sflag:s6], $0x10000  }
0x1f: {  	[sflag:s6] =	ssyncset.done $0x0  }
0x20: {  	[sflag:s6] =	ssyncadd.s32 $0xFFFF0000  }
0x21: {  	v3 =	vld [tilespmem:$0x0];
	_ =	sdelay $0x4  }
0x22: {  	v4 =	vshll.u32 v3, $0x2  }
0x23: {  	v3 =	vand.u32 $0x7, v3;
	v4 =	vand.u32 $0xFFFFFFE0, v4  }
0x24: {  	v3 =	vor.u32 v3, v4  }
0x25: {  	v4 =	vperm.xlane v3, v0;
	_ =	sdelay $0x1  }
0x26: {  	v4 =	vadd.s32 v1, v4;
	_ =	sdelay $0x1  }
0x27: {  	v3 =	vperm.xlane v3, v2;
	_ =	sdelay $0x1  }
0x28: {  	v3 =	vadd.s32 v1, v3  }
0x29: {  	[hbm4b:s3+s2] =	stream.indirect_vreg.scatter [tilespmem:s7], [sflag:$0x1], $0x80, v4, vm0, $0xb8;
	[tilespmem:$0x10080] =	vst v63  }
0x2a: {  	s0 =	rddreg [dreg:$0x5]  }
0x2b: {  	[hbm4b:s4+s2] =	stream.indirect_vreg.scatter [tilespmem:s0], [sflag:$0x1], $0x80, v4, vm0, $0xb8;
	[tilespmem:$0x10080] =	vst v63  }
0x2c: {  	s8 =	rddreg [dreg:$0x6]  }
0x2d: {  	[hbm4b:s3+s2] =	stream.indirect_vreg.scatter [tilespmem:s8], [sflag:$0x1], $0x80, v3, vm0, $0xb8;
	[tilespmem:$0x10080] =	vst v63  }
0x2e: {  	s0 =	rddreg [dreg:$0x7]  }
0x2f: {  	[hbm4b:s4+s2] =	stream.indirect_vreg.scatter [tilespmem:s0], [sflag:$0x1], $0x80, v3, vm0, $0xb8;
	[tilespmem:$0x10080] =	vst v63  }
0x30: {  	v3 =	vld [tilespmem:$0x10];
	_ =	sdelay $0x4  }
0x31: {  	v57 =	vshll.u32 v3, $0x2  }
0x32: {  	v3 =	vand.u32 $0x7, v3;
	v4 =	vand.u32 $0xFFFFFFE0, v57  }
0x33: {  	v3 =	vor.u32 v3, v4  }
0x34: {  	v4 =	vperm.xlane v3, v0;
	_ =	sdelay $0x1  }
0x35: {  	v4 =	vadd.s32 v1, v4;
	_ =	sdelay $0x1  }
0x36: {  	v3 =	vperm.xlane v3, v2;
	_ =	sdelay $0x1  }
0x37: {  	s0 =	rddreg [dreg:$0x8];
	v3 =	vadd.s32 v1, v3  }
0x38: {  	[hbm4b:s3+s2] =	stream.indirect_vreg.scatter [tilespmem:s0], [sflag:$0x1], $0x80, v4, vm0, $0xb8;
	[tilespmem:$0x10080] =	vst v63  }
0x39: {  	s8 =	rddreg [dreg:$0x9]  }
0x3a: {  	[hbm4b:s4+s2] =	stream.indirect_vreg.scatter [tilespmem:s8], [sflag:$0x1], $0x80, v4, vm0, $0xb8;
	[tilespmem:$0x10080] =	vst v63  }
0x3b: {  	s0 =	rddreg [dreg:$0xa]  }
0x3c: {  	[hbm4b:s3+s2] =	stream.indirect_vreg.scatter [tilespmem:s0], [sflag:$0x1], $0x80, v3, vm0, $0xb8;
	[tilespmem:$0x10080] =	vst v63  }
0x3d: {  	s8 =	rddreg [dreg:$0xb]  }
0x3e: {  	[hbm4b:s4+s2] =	stream.indirect_vreg.scatter [tilespmem:s8], [sflag:$0x1], $0x80, v3, vm0, $0xb8;
	[tilespmem:$0x10080] =	vst v63  }
0x3f: {  	v3 =	vld [tilespmem:$0x20];
	_ =	sdelay $0x4  }
0x40: {  	v58 =	vshll.u32 v3, $0x2  }
0x41: {  	v3 =	vand.u32 $0x7, v3;
	v4 =	vand.u32 $0xFFFFFFE0, v58  }
0x42: {  	v3 =	vor.u32 v3, v4  }
0x43: {  	v4 =	vperm.xlane v3, v0;
	_ =	sdelay $0x1  }
0x44: {  	v4 =	vadd.s32 v1, v4;
	_ =	sdelay $0x1  }
0x45: {  	v3 =	vperm.xlane v3, v2;
	_ =	sdelay $0x1  }
0x46: {  	s8 =	rddreg [dreg:$0xc];
	v3 =	vadd.s32 v1, v3  }
0x47: {  	[hbm4b:s3+s2] =	stream.indirect_vreg.scatter [tilespmem:s8], [sflag:$0x1], $0x80, v4, vm0, $0xb8;
	[tilespmem:$0x10080] =	vst v63  }
0x48: {  	s8 =	simm.s32 $0x4880  }
0x49: {  	[hbm4b:s4+s2] =	stream.indirect_vreg.scatter [tilespmem:s8], [sflag:$0x1], $0x80, v4, vm0, $0xb8;
	[tilespmem:$0x10080] =	vst v63  }
0x4a: {  	_ = 	snop  }
0x4b: {  	[hbm4b:s3+s2] =	stream.indirect_vreg.scatter [tilespmem:s9], [sflag:$0x1], $0x80, v3, vm0, $0xb8;
	[tilespmem:$0x10080] =	vst v63  }
0x4c: {  	_ = 	snop  }
0x4d: {  	[hbm4b:s4+s2] =	stream.indirect_vreg.scatter [tilespmem:s10], [sflag:$0x1], $0x80, v3, vm0, $0xb8;
	[tilespmem:$0x10080] =	vst v63  }
0x4e: {  	v3 =	vld [tilespmem:$0x30];
	_ =	sdelay $0x4  }
0x4f: {  	v59 =	vshll.u32 v3, $0x2  }
0x50: {  	v3 =	vand.u32 $0x7, v3;
	v4 =	vand.u32 $0xFFFFFFE0, v59  }
0x51: {  	v3 =	vor.u32 v3, v4  }
0x52: {  	v4 =	vperm.xlane v3, v0;
	_ =	sdelay $0x1  }
0x53: {  	v4 =	vadd.s32 v1, v4;
	_ =	sdelay $0x1  }
0x54: {  	v3 =	vperm.xlane v3, v2;
	_ =	sdelay $0x1  }
0x55: {  	v3 =	vadd.s32 v1, v3  }
0x56: {  	[hbm4b:s3+s2] =	stream.indirect_vreg.scatter [tilespmem:s11], [sflag:$0x1], $0x80, v4, vm0, $0xb8;
	[tilespmem:$0x10080] =	vst v63  }
0x57: {  	_ = 	snop  }
0x58: {  	[hbm4b:s4+s2] =	stream.indirect_vreg.scatter [tilespmem:s12], [sflag:$0x1], $0x80, v4, vm0, $0xb8;
	[tilespmem:$0x10080] =	vst v63  }
0x59: {  	_ = 	snop  }
0x5a: {  	[hbm4b:s3+s2] =	stream.indirect_vreg.scatter [tilespmem:s13], [sflag:$0x1], $0x80, v3, vm0, $0xb8;
	[tilespmem:$0x10080] =	vst v63  }
0x5b: {  	_ = 	snop  }
0x5c: {  	[hbm4b:s4+s2] =	stream.indirect_vreg.scatter [tilespmem:s14], [sflag:$0x1], $0x80, v3, vm0, $0xb8;
	[tilespmem:$0x10080] =	vst v63  }
0x5d: {  	v3 =	vld [tilespmem:$0x40];
	_ =	sdelay $0x4  }
0x5e: {  	v60 =	vshll.u32 v3, $0x2  }
0x5f: {  	v3 =	vand.u32 $0x7, v3;
	v4 =	vand.u32 $0xFFFFFFE0, v60  }
0x60: {  	v3 =	vor.u32 v3, v4  }
0x61: {  	v4 =	vperm.xlane v3, v0;
	_ =	sdelay $0x1  }
0x62: {  	v4 =	vadd.s32 v1, v4;
	_ =	sdelay $0x1  }
0x63: {  	v3 =	vperm.xlane v3, v2;
	_ =	sdelay $0x1  }
0x64: {  	v3 =	vadd.s32 v1, v3  }
0x65: {  	[hbm4b:s3+s2] =	stream.indirect_vreg.scatter [tilespmem:s15], [sflag:$0x1], $0x80, v4, vm0, $0xb8;
	[tilespmem:$0x10080] =	vst v63  }
0x66: {  	_ = 	snop  }
0x67: {  	[hbm4b:s4+s2] =	stream.indirect_vreg.scatter [tilespmem:s16], [sflag:$0x1], $0x80, v4, vm0, $0xb8;
	[tilespmem:$0x10080] =	vst v63  }
0x68: {  	_ = 	snop  }
0x69: {  	[hbm4b:s3+s2] =	stream.indirect_vreg.scatter [tilespmem:s17], [sflag:$0x1], $0x80, v3, vm0, $0xb8;
	[tilespmem:$0x10080] =	vst v63  }
0x6a: {  	_ = 	snop  }
0x6b: {  	[hbm4b:s4+s2] =	stream.indirect_vreg.scatter [tilespmem:s18], [sflag:$0x1], $0x80, v3, vm0, $0xb8;
	[tilespmem:$0x10080] =	vst v63  }
0x6c: {  	v3 =	vld [tilespmem:$0x50];
	_ =	sdelay $0x4  }
0x6d: {  	v61 =	vshll.u32 v3, $0x2  }
0x6e: {  	v3 =	vand.u32 $0x7, v3;
	v4 =	vand.u32 $0xFFFFFFE0, v61  }
0x6f: {  	v3 =	vor.u32 v3, v4  }
0x70: {  	v4 =	vperm.xlane v3, v0;
	_ =	sdelay $0x1  }
0x71: {  	v4 =	vadd.s32 v1, v4;
	_ =	sdelay $0x1  }
0x72: {  	v3 =	vperm.xlane v3, v2;
	_ =	sdelay $0x1  }
0x73: {  	v3 =	vadd.s32 v1, v3  }
0x74: {  	[hbm4b:s3+s2] =	stream.indirect_vreg.scatter [tilespmem:s19], [sflag:$0x1], $0x80, v4, vm0, $0xb8;
	[tilespmem:$0x10080] =	vst v63  }
0x75: {  	_ = 	snop  }
0x76: {  	[hbm4b:s4+s2] =	stream.indirect_vreg.scatter [tilespmem:s20], [sflag:$0x1], $0x80, v4, vm0, $0xb8;
	[tilespmem:$0x10080] =	vst v63  }
0x77: {  	_ = 	snop  }
0x78: {  	[hbm4b:s3+s2] =	stream.indirect_vreg.scatter [tilespmem:s21], [sflag:$0x1], $0x80, v3, vm0, $0xb8;
	[tilespmem:$0x10080] =	vst v63  }
0x79: {  	_ = 	snop  }
0x7a: {  	[hbm4b:s4+s2] =	stream.indirect_vreg.scatter [tilespmem:s22], [sflag:$0x1], $0x80, v3, vm0, $0xb8;
	[tilespmem:$0x10080] =	vst v63  }
0x7b: {  	v3 =	vld [tilespmem:$0x60];
	_ =	sdelay $0x4  }
0x7c: {  	v62 =	vshll.u32 v3, $0x2  }
0x7d: {  	v3 =	vand.u32 $0x7, v3;
	v4 =	vand.u32 $0xFFFFFFE0, v62  }
0x7e: {  	v3 =	vor.u32 v3, v4  }
0x7f: {  	v4 =	vperm.xlane v3, v0;
	_ =	sdelay $0x1  }
0x80: {  	v4 =	vadd.s32 v1, v4;
	_ =	sdelay $0x1  }
0x81: {  	v3 =	vperm.xlane v3, v2;
	_ =	sdelay $0x1  }
0x82: {  	v3 =	vadd.s32 v1, v3  }
0x83: {  	[hbm4b:s3+s2] =	stream.indirect_vreg.scatter [tilespmem:s23], [sflag:$0x1], $0x80, v4, vm0, $0xb8;
	[tilespmem:$0x10080] =	vst v63  }
0x84: {  	_ = 	snop  }
0x85: {  	[hbm4b:s4+s2] =	stream.indirect_vreg.scatter [tilespmem:s24], [sflag:$0x1], $0x80, v4, vm0, $0xb8;
	[tilespmem:$0x10080] =	vst v63  }
0x86: {  	_ = 	snop  }
0x87: {  	[hbm4b:s3+s2] =	stream.indirect_vreg.scatter [tilespmem:s25], [sflag:$0x1], $0x80, v3, vm0, $0xb8;
	[tilespmem:$0x10080] =	vst v63  }
0x88: {  	_ = 	snop  }
0x89: {  	[hbm4b:s4+s2] =	stream.indirect_vreg.scatter [tilespmem:s26], [sflag:$0x1], $0x80, v3, vm0, $0xb8;
	[tilespmem:$0x10080] =	vst v63  }
0x8a: {  	v3 =	vld [tilespmem:$0x70];
	_ =	sdelay $0x4  }
0x8b: {  	v63 =	vshll.u32 v3, $0x2  }
0x8c: {  	v3 =	vand.u32 $0x7, v3;
	v4 =	vand.u32 $0xFFFFFFE0, v63  }
0x8d: {  	v3 =	vor.u32 v3, v4  }
0x8e: {  	v4 =	vperm.xlane v3, v0;
	_ =	sdelay $0x1  }
0x8f: {  	v4 =	vadd.s32 v1, v4;
	_ =	sdelay $0x1  }
0x90: {  	v3 =	vperm.xlane v3, v2;
	_ =	sdelay $0x1  }
0x91: {  	v3 =	vadd.s32 v1, v3  }
0x92: {  	[hbm4b:s3+s2] =	stream.indirect_vreg.scatter [tilespmem:s28], [sflag:$0x1], $0x80, v4, vm0, $0xb8;
	[tilespmem:$0x10080] =	vst v63  }
0x93: {  	_ = 	snop  }
0x94: {  	[hbm4b:s4+s2] =	stream.indirect_vreg.scatter [tilespmem:s29], [sflag:$0x1], $0x80, v4, vm0, $0xb8;
	[tilespmem:$0x10080] =	vst v63  }
0x95: {  	p0 =	sne.s32 s5, $0x1  }
0x96: {  	[hbm4b:s3+s2] =	stream.indirect_vreg.scatter [tilespmem:s30], [sflag:$0x1], $0x80, v3, vm0, $0xb8;
	[tilespmem:$0x10080] =	vst v63  }
.Ltmp0:
0x97: {  	_ = 	snop;
	(pc) =	sbr.rel @p0 .LBB2_1-.Ltmp0, $4  }
0x98: {  	[hbm4b:s4+s2] =	stream.indirect_vreg.scatter [tilespmem:s31], [sflag:$0x1], $0x80, v3, vm0, $0xb8;
	[tilespmem:$0x10080] =	vst v63  }
0x99: {  	_ =	swait.ge [sflag:s1], $0x10000  }
0x9a: {  	[sflag:s1] =	ssyncset.done $0x0  }
0x9b: {  	s5 =	sadd.s32 $0xFFFFFFFF, s5;
	[sflag:s1] =	ssyncadd.s32 $0xFFFF0000  }
0x9c: {  	_ =	sfence.sel $0x180000  }
0x9d: {  	[bflag:$0x0] =	sbarrier.arrive $0xFFFF  }
0x9e: {  	_ =	strace $0x90000047  }
0x9f: {  	s0 =	stileid.u32;
	[bflag:$0x2] =	sbarrier.arrive $0xFFFF  }
0xa0: {  	p0 =	sne.s32 s0, $0x0;
	s0 =	rddreg [dreg:$0x2]  }
0xa1: {  	s0 =	sadd.s32 @!p0 $0x100000, s0  }
0xa2: {  	[sflag:s0] =	ssyncadd.tile.s32 @!p0 $0x1;
	_ =	shalt  }
.Lfunc_end2:
_tile_overlayer_lowered:
.L_overlay_start_2:
0xa3: {  	(tag) =	ssettag $0x2  }
0xa4: {  	s0 =	rddreg [dreg:$0x0];
	s2 =	stileid.u32  }
0xa5: {  	s1 =	rddreg [dreg:$0x1];
	p0 =	sne.s32 s2, $0x0  }
0xa6: {  	s3 =	rddreg [dreg:$0x2];
	[bflag:$0x3] =	sbarrier.arrive $0xFFFF;
	s2 =	simm.s32 @!p0 $0x1C02  }
0xa7: {  	[timem:s3], [sflag:s2] =	dma.local @!p0 [hbm:s0], s1  }
0xa8: {  	s0 =	simm.s32 @!p0 $0x2  }
0xa9: {  	_ =	swait.ge @!p0 [sflag:s0], s1  }
0xaa: {  	s1 =	ssub.s32 @!p0 $0x0, s1;
	[sflag:s0] =	ssyncset.done @!p0 $0x0  }
0xab: {  	[sflag:s0] =	ssyncadd.s32 @!p0 s1  }
0xac: {  	[bflag:$0x3] =	sbarrier.arrive $0xFFFF  }
0xad: {  	_ =	shalt  }

</sc_bundles>
